<compile_context>
chip_gen: v7x
topology: tpu7x:2x2x1
jax: 0.10.2.dev20260603
libtpu: 0.0.44.dev20260713+nightly
codegen_flags: <defaults>
</compile_context>

<pallas_src>
import functools

import jax
import jax.numpy as jnp
from jax import lax
from jax.experimental import pallas as pl
from jax.experimental.pallas import tpu as pltpu
from jax.experimental.pallas import tpu_sc as plsc

_VOCAB = 1000
_D_EMB = 128
_D_MODEL = 512

_NC = 2
_NS = 16
_NW = _NC * _NS


def _fuse_body(w_ref, fw_ref, b_ref, o_ref):
    o_ref[...] = (
        jnp.dot(w_ref[...], fw_ref[...], preferred_element_type=jnp.float32)
        + b_ref[...]
    )


def _fused_table(weights, fc_w, fc_b):
    return pl.pallas_call(
        _fuse_body,
        out_shape=jax.ShapeDtypeStruct((_VOCAB, _D_MODEL), jnp.float32),
    )(weights, fc_w, fc_b.reshape(1, _D_MODEL))


def _make_gather(bs, seq, d, ch=32, nbuf=5):
    n_tok = bs * seq
    per_w = n_tok // _NW
    n_chunks = per_w // ch
    n_steady = n_chunks // nbuf * nbuf
    chunks_per_plane = bs // ch
    assert n_tok % _NW == 0 and per_w % ch == 0
    assert bs % ch == 0 and ch % 8 == 0
    assert n_chunks - n_steady <= 2

    mesh = plsc.VectorSubcoreMesh(core_axis_name="c", subcore_axis_name="s")

    @functools.partial(
        pl.kernel,
        mesh=mesh,
        out_type=jax.ShapeDtypeStruct((seq, bs, d), jnp.float32),
        scratch_types=[
            pltpu.VMEM((per_w,), jnp.int32),
            pltpu.VMEM((nbuf, ch, d), jnp.float32),
        ]
        + [pltpu.SemaphoreType.DMA] * (2 * nbuf),
    )
    def gather(table_hbm, tok_hbm, out_hbm, idx_v, rows_v, *sems):
        gsem, wsem = sems[:nbuf], sems[nbuf:]
        wid = lax.axis_index("s") * _NC + lax.axis_index("c")
        gbase = wid * n_chunks
        pltpu.sync_copy(tok_hbm.at[pl.ds(wid * per_w, per_w)], idx_v)

        def g_copy(c, b):
            return pltpu.make_async_copy(
                table_hbm.at[idx_v.at[pl.ds(c * ch, ch)]], rows_v.at[b], gsem[b]
            )

        def w_copy(c, b):
            g = gbase + c
            sp = g // chunks_per_plane
            b0 = (g % chunks_per_plane) * ch
            return pltpu.make_async_copy(
                rows_v.at[b], out_hbm.at[sp, pl.ds(b0, ch)], wsem[b]
            )

        for c in range(2):
            g_copy(c, c % nbuf).start()

        def outer(i, carry):
            for j in range(nbuf):
                s = i * nbuf + j
                bg = (j + 2) % nbuf

                @pl.when((s + 2 < n_chunks) & (s + 2 - nbuf >= 0))
                def _():
                    w_copy(0, bg).wait()

                @pl.when(s + 2 < n_chunks)
                def _():
                    g_copy(s + 2, bg).start()

                g_copy(0, j).wait()
                w_copy(s, j).start()
            return carry

        lax.fori_loop(0, n_steady // nbuf, outer, 0)
        for s in range(n_steady, n_chunks):
            g_copy(0, s % nbuf).wait()
            w_copy(s, s % nbuf).start()
        for j in range(min(nbuf, n_chunks)):
            w_copy(0, j).wait()

    def run(table, tokens):
        toks = tokens.T.reshape(-1)
        out = gather(table, toks)
        return out.transpose(1, 0, 2)

    return run


def kernel(tokens, weights, fc_w, fc_b):
    bs, seq = tokens.shape
    fused = _fused_table(weights, fc_w, fc_b)
    return _make_gather(bs, seq, _D_MODEL)(fused, tokens.astype(jnp.int32))

# --- scband reference (transcript-rebuilt; emitter-appended) ---
"""Pipeline reference for scband-dynamic-embedding-66494683677006 (READ-ONLY COPY).

The authoritative reference and input builder live on the scoring server;
editing this copy changes nothing except your own understanding.
"""

import jax, jax.numpy as jnp
import numpy as np

BS, SEQ, VOCAB, D_EMB, D_MODEL = 1024, 50, 1000, 128, 512

def setup_inputs(seed: int = 0) -> dict:
    key = jax.random.key(seed)
    k1, k2, k3 = jax.random.split(key, 3)
    tokens = jax.random.randint(k1, (BS, SEQ), 0, VOCAB)
    # xavier-style init for embedding table and fc
    weights = jax.random.normal(k2, (VOCAB, D_EMB), dtype=jnp.float32) * (2.0 / (VOCAB + D_EMB)) ** 0.5
    fc_w = jax.random.normal(k3, (D_EMB, D_MODEL), dtype=jnp.float32) * (2.0 / (D_EMB + D_MODEL)) ** 0.5
    fc_b = jnp.zeros((D_MODEL,), dtype=jnp.float32)
    return {"tokens": tokens, "weights": weights, "fc_w": fc_w, "fc_b": fc_b}

def reference(tokens, weights, fc_w, fc_b):
    bs, seq_len = tokens.shape
    len_vocab = VOCAB
    # scatter a 1.0 at each token position (faithful to the one-hot scatter pattern)
    one_hot_vecs = jnp.zeros((bs, seq_len, len_vocab), dtype=jnp.float32)
    b_idx = jnp.arange(bs)[:, None, None]
    s_idx = jnp.arange(seq_len)[None, :, None]
    one_hot_vecs = one_hot_vecs.at[b_idx, s_idx, tokens[:, :, None]].set(1.0)
    # embedding via one-hot matmul against the learned table
    emb = jnp.einsum('bsv,vd->bsd', one_hot_vecs, weights)
    # fc projection to d_model (dropout is identity in eval)
    out = emb @ fc_w + fc_b
    return out

if __name__ == "__main__":
    import jax
    _d = setup_inputs()
    print(jax.jit(kernel)(*tuple(_d.values())))

</pallas_src>

<mosaic_0001>
#map = affine_map<(d0, d1) -> (0, 0)>
#map1 = affine_map<(d0, d1) -> (0)>
#map2 = affine_map<(d0, d1) -> (0, 0, 0)>
module attributes {stable_mosaic.version = 14 : i64} {
  func.func @gather(%arg0: i32, %arg1: i32, %arg2: memref<1000x512xf32, #tpu.memory_space<hbm>>, %arg3: memref<51200xi32, #tpu.memory_space<hbm>>, %arg4: memref<50x1024x512xf32, #tpu.memory_space<hbm>>, %arg5: memref<1600xi32, #tpu.memory_space<vmem>>, %arg6: memref<5x32x512xf32, #tpu.memory_space<vmem>>, %arg7: memref<!tpu.dma_semaphore, #tpu.memory_space<semaphore_mem>>, %arg8: memref<!tpu.dma_semaphore, #tpu.memory_space<semaphore_mem>>, %arg9: memref<!tpu.dma_semaphore, #tpu.memory_space<semaphore_mem>>, %arg10: memref<!tpu.dma_semaphore, #tpu.memory_space<semaphore_mem>>, %arg11: memref<!tpu.dma_semaphore, #tpu.memory_space<semaphore_mem>>, %arg12: memref<!tpu.dma_semaphore, #tpu.memory_space<semaphore_mem>>, %arg13: memref<!tpu.dma_semaphore, #tpu.memory_space<semaphore_mem>>, %arg14: memref<!tpu.dma_semaphore, #tpu.memory_space<semaphore_mem>>, %arg15: memref<!tpu.dma_semaphore, #tpu.memory_space<semaphore_mem>>, %arg16: memref<!tpu.dma_semaphore, #tpu.memory_space<semaphore_mem>>) attributes {dimension_semantics = [#tpu.dimension_semantics<core_parallel>, #tpu.dimension_semantics<subcore_parallel>], iteration_bounds = array<i64: 2, 16>, scalar_prefetch = 0 : i64, scratch_operands = 12 : i64, tpu.core_type = #tpu.core_type<sc_vector_subcore>, window_params = [{transform_indices = #map}, {transform_indices = #map1}, {transform_indices = #map2}]} {
    %mul3A = arith.constant 2 : i32
    %mul3A_0 = arith.muli %arg1, %mul3A : i32
    %add3A = arith.addi %mul3A_0, %arg0 : i32
    %mul3A_1 = arith.constant 50 : i32
    %mul3A_2 = arith.muli %add3A, %mul3A_1 : i32
    %mul3A_3 = arith.constant 1600 : i32
    %mul3A_4 = arith.muli %add3A, %mul3A_3 : i32
    "tpu.region"() ({
      %run_scoped3A = tpu.sem_alloc : memref<!tpu.dma_semaphore, #tpu.memory_space<semaphore_mem>>
      %dma_start3A_313 = tpu.memref_slice %arg3[%mul3A_4] : memref<51200xi32, #tpu.memory_space<hbm>> -> memref<1600xi32, #tpu.memory_space<hbm>>
      %dma_start3A_314 = tpu.memref_slice %arg3[%mul3A_4] : memref<51200xi32, #tpu.memory_space<hbm>> -> memref<1600xi32, #tpu.memory_space<hbm>>
      tpu.enqueue_dma source(%dma_start3A_314 : memref<1600xi32, #tpu.memory_space<hbm>>) target(%arg5 : memref<1600xi32, #tpu.memory_space<vmem>>) target_semaphore(%run_scoped3A : memref<!tpu.dma_semaphore, #tpu.memory_space<semaphore_mem>>)
      %dma_wait3A_315 = tpu.memref_slice %arg3[%mul3A_4] : memref<51200xi32, #tpu.memory_space<hbm>> -> memref<1600xi32, #tpu.memory_space<hbm>>
      %dma_wait3A_316 = tpu.memref_slice %arg3[%mul3A_4] : memref<51200xi32, #tpu.memory_space<hbm>> -> memref<1600xi32, #tpu.memory_space<hbm>>
      tpu.wait_dma2 semaphore(%run_scoped3A : memref<!tpu.dma_semaphore, #tpu.memory_space<semaphore_mem>>) src(%dma_wait3A_316 : memref<1600xi32, #tpu.memory_space<hbm>>) dst(%arg5 : memref<1600xi32, #tpu.memory_space<vmem>>)
      tpu.yield
    }) : () -> ()
    %dma_start3A = arith.constant 0 : i32
    %dma_start3A_5 = arith.constant 0 : i32
    %dma_start3A_6 = arith.constant 0 : i32
    %dma_start3A_7 = tpu.memref_slice %arg6[%dma_start3A, %dma_start3A_5, %dma_start3A_6] : memref<5x32x512xf32, #tpu.memory_space<vmem>> -> memref<1x32x512xf32, #tpu.memory_space<vmem>>
    %dma_start3A_8 = tpu.memref_squeeze %dma_start3A_7 : memref<1x32x512xf32, #tpu.memory_space<vmem>> -> memref<32x512xf32, #tpu.memory_space<vmem>>
    %dma_start3A_9 = arith.constant 0 : i32
    %dma_start3A_10 = tpu.memref_slice %arg5[%dma_start3A_9] : memref<1600xi32, #tpu.memory_space<vmem>> -> memref<32xi32, #tpu.memory_space<vmem>>
    %dma_start3A_11 = arith.constant 0 : i32
    %dma_start3A_12 = arith.constant 0 : i32
    %dma_start3A_13 = tpu.memref_slice %arg2[%dma_start3A_11, %dma_start3A_12] : memref<1000x512xf32, #tpu.memory_space<hbm>> -> memref<1000x512xf32, #tpu.memory_space<hbm>>
    tpu.enqueue_indirect_dma source(%dma_start3A_13 : memref<1000x512xf32, #tpu.memory_space<hbm>>) target(%dma_start3A_8 : memref<32x512xf32, #tpu.memory_space<vmem>>) offsets(%dma_start3A_10 : memref<32xi32, #tpu.memory_space<vmem>>) semaphore(%arg7 : memref<!tpu.dma_semaphore, #tpu.memory_space<semaphore_mem>>)
    %dma_start3A_14 = arith.constant 1 : i32
    %dma_start3A_15 = arith.constant 0 : i32
    %dma_start3A_16 = arith.constant 0 : i32
    %dma_start3A_17 = tpu.memref_slice %arg6[%dma_start3A_14, %dma_start3A_15, %dma_start3A_16] : memref<5x32x512xf32, #tpu.memory_space<vmem>> -> memref<1x32x512xf32, #tpu.memory_space<vmem>>
    %dma_start3A_18 = tpu.memref_squeeze %dma_start3A_17 : memref<1x32x512xf32, #tpu.memory_space<vmem>> -> memref<32x512xf32, #tpu.memory_space<vmem>>
    %dma_start3A_19 = arith.constant 32 : i32
    %dma_start3A_20 = tpu.memref_slice %arg5[%dma_start3A_19] : memref<1600xi32, #tpu.memory_space<vmem>> -> memref<32xi32, #tpu.memory_space<vmem>>
    %dma_start3A_21 = arith.constant 0 : i32
    %dma_start3A_22 = arith.constant 0 : i32
    %dma_start3A_23 = tpu.memref_slice %arg2[%dma_start3A_21, %dma_start3A_22] : memref<1000x512xf32, #tpu.memory_space<hbm>> -> memref<1000x512xf32, #tpu.memory_space<hbm>>
    tpu.enqueue_indirect_dma source(%dma_start3A_23 : memref<1000x512xf32, #tpu.memory_space<hbm>>) target(%dma_start3A_18 : memref<32x512xf32, #tpu.memory_space<vmem>>) offsets(%dma_start3A_20 : memref<32xi32, #tpu.memory_space<vmem>>) semaphore(%arg8 : memref<!tpu.dma_semaphore, #tpu.memory_space<semaphore_mem>>)
    %scan3A = arith.constant 0 : i32
    %scan3A_24 = arith.constant 0 : i32
    %scan3A_25 = arith.constant 10 : i32
    %scan3A_26 = arith.addi %scan3A_24, %scan3A_25 : i32
    %scan3A_27 = arith.constant 1 : i32
    scf.for %scan3A_313 = %scan3A_24 to %scan3A_26 step %scan3A_27  : i32 {
      %mul3A_314 = arith.constant 5 : i32
      %mul3A_315 = arith.muli %scan3A_313, %mul3A_314 : i32
      %add3A_316 = arith.constant 0 : i32
      %add3A_317 = arith.addi %mul3A_315, %add3A_316 : i32
      %add3A_318 = arith.constant 2 : i32
      %add3A_319 = arith.addi %add3A_317, %add3A_318 : i32
      %lt3A_320 = arith.constant 50 : i32
      %lt3A_321 = arith.cmpi slt, %add3A_319, %lt3A_320 : i32
      %add3A_322 = arith.constant 2 : i32
      %add3A_323 = arith.addi %add3A_317, %add3A_322 : i32
      %sub3A_324 = arith.constant 5 : i32
      %sub3A_325 = arith.subi %add3A_323, %sub3A_324 : i32
      %ge3A = arith.constant 0 : i32
      %ge3A_326 = arith.cmpi sge, %sub3A_325, %ge3A : i32
      %and3A_327 = arith.andi %lt3A_321, %ge3A_326 : i1
      %convert_element_type3A = arith.extui %and3A_327 : i1 to i32
      %cond3A = arith.constant 0 : i32
      %cond3A_328 = arith.cmpi ne, %convert_element_type3A, %cond3A : i32
      scf.if %cond3A_328 {
        %add3A_776 = arith.constant 0 : i32
        %add3A_777 = arith.addi %mul3A_2, %add3A_776 : i32
        %jit3A_778 = arith.constant 32 : i32
        %div3A_779 = arith.divsi %add3A_777, %jit3A_778 : i32
        %sign3A_780 = arith.constant 0 : i32
        %sign3A_781 = arith.cmpi sgt, %add3A_777, %sign3A_780 : i32
        %sign3A_782 = arith.extui %sign3A_781 : i1 to i32
        %sign3A_783 = arith.constant 0 : i32
        %sign3A_784 = arith.cmpi slt, %add3A_777, %sign3A_783 : i32
        %sign3A_785 = arith.extui %sign3A_784 : i1 to i32
        %sign3A_786 = arith.subi %sign3A_782, %sign3A_785 : i32
        %sign3A_787 = arith.constant 0 : i32
        %sign3A_788 = arith.cmpi sgt, %jit3A_778, %sign3A_787 : i32
        %sign3A_789 = arith.extui %sign3A_788 : i1 to i32
        %sign3A_790 = arith.constant 0 : i32
        %sign3A_791 = arith.cmpi slt, %jit3A_778, %sign3A_790 : i32
        %sign3A_792 = arith.extui %sign3A_791 : i1 to i32
        %sign3A_793 = arith.subi %sign3A_789, %sign3A_792 : i32
        %ne3A_794 = arith.cmpi ne, %sign3A_786, %sign3A_793 : i32
        %rem3A_795 = arith.remsi %add3A_777, %jit3A_778 : i32
        %ne3A_796 = arith.constant 0 : i32
        %ne3A_797 = arith.cmpi ne, %rem3A_795, %ne3A_796 : i32
        %and3A_798 = arith.andi %ne3A_794, %ne3A_797 : i1
        %sub3A_799 = arith.constant 1 : i32
        %sub3A_800 = arith.subi %div3A_779, %sub3A_799 : i32
        %select_n3A_801 = arith.select %and3A_798, %sub3A_800, %div3A_779 : i32
        %jit3A_802 = arith.constant 32 : i32
        %eq3A_803 = arith.constant 0 : i32
        %eq3A_804 = arith.cmpi eq, %jit3A_802, %eq3A_803 : i32
        %jit3A_805 = arith.constant 1 : i32
        %select_n3A_806 = arith.select %eq3A_804, %jit3A_805, %jit3A_802 : i32
        %rem3A_807 = arith.remsi %add3A_777, %select_n3A_806 : i32
        %ne3A_808 = arith.constant 0 : i32
        %ne3A_809 = arith.cmpi ne, %rem3A_807, %ne3A_808 : i32
        %lt3A_810 = arith.constant 0 : i32
        %lt3A_811 = arith.cmpi slt, %rem3A_807, %lt3A_810 : i32
        %lt3A_812 = arith.constant 0 : i32
        %lt3A_813 = arith.cmpi slt, %select_n3A_806, %lt3A_812 : i32
        %ne3A_814 = arith.xori %lt3A_811, %lt3A_813 : i1
        %and3A_815 = arith.andi %ne3A_814, %ne3A_809 : i1
        %add3A_816 = arith.addi %rem3A_807, %select_n3A_806 : i32
        %select_n3A_817 = arith.select %and3A_815, %add3A_816, %rem3A_807 : i32
        %mul3A_818 = arith.constant 32 : i32
        %mul3A_819 = arith.muli %select_n3A_817, %mul3A_818 : i32
        %dma_wait3A_820 = arith.constant 2 : i32
        %dma_wait3A_821 = arith.constant 0 : i32
        %dma_wait3A_822 = arith.constant 0 : i32
        %dma_wait3A_823 = tpu.memref_slice %arg6[%dma_wait3A_820, %dma_wait3A_821, %dma_wait3A_822] : memref<5x32x512xf32, #tpu.memory_space<vmem>> -> memref<1x32x512xf32, #tpu.memory_space<vmem>>
        %dma_wait3A_824 = tpu.memref_squeeze %dma_wait3A_823 : memref<1x32x512xf32, #tpu.memory_space<vmem>> -> memref<32x512xf32, #tpu.memory_space<vmem>>
        %dma_wait3A_825 = arith.constant 0 : i32
        %dma_wait3A_826 = tpu.memref_slice %arg4[%select_n3A_801, %mul3A_819, %dma_wait3A_825] : memref<50x1024x512xf32, #tpu.memory_space<hbm>> -> memref<1x32x512xf32, #tpu.memory_space<hbm>>
        %dma_wait3A_827 = tpu.memref_squeeze %dma_wait3A_826 : memref<1x32x512xf32, #tpu.memory_space<hbm>> -> memref<32x512xf32, #tpu.memory_space<hbm>>
        %dma_wait3A_828 = arith.constant 0 : i32
        %dma_wait3A_829 = tpu.memref_slice %arg4[%select_n3A_801, %mul3A_819, %dma_wait3A_828] : memref<50x1024x512xf32, #tpu.memory_space<hbm>> -> memref<1x32x512xf32, #tpu.memory_space<hbm>>
        %dma_wait3A_830 = tpu.memref_squeeze %dma_wait3A_829 : memref<1x32x512xf32, #tpu.memory_space<hbm>> -> memref<32x512xf32, #tpu.memory_space<hbm>>
        %dma_wait3A_831 = arith.constant 0 : i32
        %dma_wait3A_832 = arith.constant 0 : i32
        %dma_wait3A_833 = tpu.memref_slice %arg6[%dma_wait3A_820, %dma_wait3A_831, %dma_wait3A_832] : memref<5x32x512xf32, #tpu.memory_space<vmem>> -> memref<1x32x512xf32, #tpu.memory_space<vmem>>
        %dma_wait3A_834 = tpu.memref_squeeze %dma_wait3A_833 : memref<1x32x512xf32, #tpu.memory_space<vmem>> -> memref<32x512xf32, #tpu.memory_space<vmem>>
        tpu.wait_dma2 semaphore(%arg14 : memref<!tpu.dma_semaphore, #tpu.memory_space<semaphore_mem>>) src(%dma_wait3A_834 : memref<32x512xf32, #tpu.memory_space<vmem>>) dst(%dma_wait3A_830 : memref<32x512xf32, #tpu.memory_space<hbm>>)
      } else {
      }
      %add3A_329 = arith.constant 2 : i32
      %add3A_330 = arith.addi %add3A_317, %add3A_329 : i32
      %lt3A_331 = arith.constant 50 : i32
      %lt3A_332 = arith.cmpi slt, %add3A_330, %lt3A_331 : i32
      %convert_element_type3A_333 = arith.extui %lt3A_332 : i1 to i32
      %cond3A_334 = arith.constant 0 : i32
      %cond3A_335 = arith.cmpi ne, %convert_element_type3A_333, %cond3A_334 : i32
      scf.if %cond3A_335 {
        %add3A_776 = arith.constant 2 : i32
        %add3A_777 = arith.addi %add3A_317, %add3A_776 : i32
        %mul3A_778 = arith.constant 32 : i32
        %mul3A_779 = arith.muli %add3A_777, %mul3A_778 : i32
        %dma_start3A_780 = arith.constant 2 : i32
        %dma_start3A_781 = arith.constant 0 : i32
        %dma_start3A_782 = arith.constant 0 : i32
        %dma_start3A_783 = tpu.memref_slice %arg6[%dma_start3A_780, %dma_start3A_781, %dma_start3A_782] : memref<5x32x512xf32, #tpu.memory_space<vmem>> -> memref<1x32x512xf32, #tpu.memory_space<vmem>>
        %dma_start3A_784 = tpu.memref_squeeze %dma_start3A_783 : memref<1x32x512xf32, #tpu.memory_space<vmem>> -> memref<32x512xf32, #tpu.memory_space<vmem>>
        %dma_start3A_785 = tpu.memref_slice %arg5[%mul3A_779] : memref<1600xi32, #tpu.memory_space<vmem>> -> memref<32xi32, #tpu.memory_space<vmem>>
        %dma_start3A_786 = arith.constant 0 : i32
        %dma_start3A_787 = arith.constant 0 : i32
        %dma_start3A_788 = tpu.memref_slice %arg2[%dma_start3A_786, %dma_start3A_787] : memref<1000x512xf32, #tpu.memory_space<hbm>> -> memref<1000x512xf32, #tpu.memory_space<hbm>>
        tpu.enqueue_indirect_dma source(%dma_start3A_788 : memref<1000x512xf32, #tpu.memory_space<hbm>>) target(%dma_start3A_784 : memref<32x512xf32, #tpu.memory_space<vmem>>) offsets(%dma_start3A_785 : memref<32xi32, #tpu.memory_space<vmem>>) semaphore(%arg9 : memref<!tpu.dma_semaphore, #tpu.memory_space<semaphore_mem>>)
      } else {
      }
      %dma_wait3A_336 = arith.constant 0 : i32
      %dma_wait3A_337 = arith.constant 0 : i32
      %dma_wait3A_338 = arith.constant 0 : i32
      %dma_wait3A_339 = tpu.memref_slice %arg6[%dma_wait3A_336, %dma_wait3A_337, %dma_wait3A_338] : memref<5x32x512xf32, #tpu.memory_space<vmem>> -> memref<1x32x512xf32, #tpu.memory_space<vmem>>
      %dma_wait3A_340 = tpu.memref_squeeze %dma_wait3A_339 : memref<1x32x512xf32, #tpu.memory_space<vmem>> -> memref<32x512xf32, #tpu.memory_space<vmem>>
      %dma_wait3A_341 = arith.constant 0 : i32
      %dma_wait3A_342 = tpu.memref_slice %arg5[%dma_wait3A_341] : memref<1600xi32, #tpu.memory_space<vmem>> -> memref<32xi32, #tpu.memory_space<vmem>>
      %dma_wait3A_343 = arith.constant 0 : i32
      %dma_wait3A_344 = arith.constant 0 : i32
      %dma_wait3A_345 = tpu.memref_slice %arg2[%dma_wait3A_343, %dma_wait3A_344] : memref<1000x512xf32, #tpu.memory_space<hbm>> -> memref<1000x512xf32, #tpu.memory_space<hbm>>
      tpu.wait_indirect_dma semaphore(%arg7 : memref<!tpu.dma_semaphore, #tpu.memory_space<semaphore_mem>>) src(%dma_wait3A_345 : memref<1000x512xf32, #tpu.memory_space<hbm>>) dst(%dma_wait3A_340 : memref<32x512xf32, #tpu.memory_space<vmem>>)
      %add3A_346 = arith.addi %mul3A_2, %add3A_317 : i32
      %jit3A_347 = arith.constant 32 : i32
      %div3A_348 = arith.divsi %add3A_346, %jit3A_347 : i32
      %sign3A_349 = arith.constant 0 : i32
      %sign3A_350 = arith.cmpi sgt, %add3A_346, %sign3A_349 : i32
      %sign3A_351 = arith.extui %sign3A_350 : i1 to i32
      %sign3A_352 = arith.constant 0 : i32
      %sign3A_353 = arith.cmpi slt, %add3A_346, %sign3A_352 : i32
      %sign3A_354 = arith.extui %sign3A_353 : i1 to i32
      %sign3A_355 = arith.subi %sign3A_351, %sign3A_354 : i32
      %sign3A_356 = arith.constant 0 : i32
      %sign3A_357 = arith.cmpi sgt, %jit3A_347, %sign3A_356 : i32
      %sign3A_358 = arith.extui %sign3A_357 : i1 to i32
      %sign3A_359 = arith.constant 0 : i32
      %sign3A_360 = arith.cmpi slt, %jit3A_347, %sign3A_359 : i32
      %sign3A_361 = arith.extui %sign3A_360 : i1 to i32
      %sign3A_362 = arith.subi %sign3A_358, %sign3A_361 : i32
      %ne3A_363 = arith.cmpi ne, %sign3A_355, %sign3A_362 : i32
      %rem3A_364 = arith.remsi %add3A_346, %jit3A_347 : i32
      %ne3A_365 = arith.constant 0 : i32
      %ne3A_366 = arith.cmpi ne, %rem3A_364, %ne3A_365 : i32
      %and3A_367 = arith.andi %ne3A_363, %ne3A_366 : i1
      %sub3A_368 = arith.constant 1 : i32
      %sub3A_369 = arith.subi %div3A_348, %sub3A_368 : i32
      %select_n3A_370 = arith.select %and3A_367, %sub3A_369, %div3A_348 : i32
      %jit3A_371 = arith.constant 32 : i32
      %eq3A_372 = arith.constant 0 : i32
      %eq3A_373 = arith.cmpi eq, %jit3A_371, %eq3A_372 : i32
      %jit3A_374 = arith.constant 1 : i32
      %select_n3A_375 = arith.select %eq3A_373, %jit3A_374, %jit3A_371 : i32
      %rem3A_376 = arith.remsi %add3A_346, %select_n3A_375 : i32
      %ne3A_377 = arith.constant 0 : i32
      %ne3A_378 = arith.cmpi ne, %rem3A_376, %ne3A_377 : i32
      %lt3A_379 = arith.constant 0 : i32
      %lt3A_380 = arith.cmpi slt, %rem3A_376, %lt3A_379 : i32
      %lt3A_381 = arith.constant 0 : i32
      %lt3A_382 = arith.cmpi slt, %select_n3A_375, %lt3A_381 : i32
      %ne3A_383 = arith.xori %lt3A_380, %lt3A_382 : i1
      %and3A_384 = arith.andi %ne3A_383, %ne3A_378 : i1
      %add3A_385 = arith.addi %rem3A_376, %select_n3A_375 : i32
      %select_n3A_386 = arith.select %and3A_384, %add3A_385, %rem3A_376 : i32
      %mul3A_387 = arith.constant 32 : i32
      %mul3A_388 = arith.muli %select_n3A_386, %mul3A_387 : i32
      %dma_start3A_389 = arith.constant 0 : i32
      %dma_start3A_390 = arith.constant 0 : i32
      %dma_start3A_391 = arith.constant 0 : i32
      %dma_start3A_392 = tpu.memref_slice %arg6[%dma_start3A_389, %dma_start3A_390, %dma_start3A_391] : memref<5x32x512xf32, #tpu.memory_space<vmem>> -> memref<1x32x512xf32, #tpu.memory_space<vmem>>
      %dma_start3A_393 = tpu.memref_squeeze %dma_start3A_392 : memref<1x32x512xf32, #tpu.memory_space<vmem>> -> memref<32x512xf32, #tpu.memory_space<vmem>>
      %dma_start3A_394 = arith.constant 0 : i32
      %dma_start3A_395 = tpu.memref_slice %arg4[%select_n3A_370, %mul3A_388, %dma_start3A_394] : memref<50x1024x512xf32, #tpu.memory_space<hbm>> -> memref<1x32x512xf32, #tpu.memory_space<hbm>>
      %dma_start3A_396 = tpu.memref_squeeze %dma_start3A_395 : memref<1x32x512xf32, #tpu.memory_space<hbm>> -> memref<32x512xf32, #tpu.memory_space<hbm>>
      %dma_start3A_397 = arith.constant 0 : i32
      %dma_start3A_398 = tpu.memref_slice %arg4[%select_n3A_370, %mul3A_388, %dma_start3A_397] : memref<50x1024x512xf32, #tpu.memory_space<hbm>> -> memref<1x32x512xf32, #tpu.memory_space<hbm>>
      %dma_start3A_399 = tpu.memref_squeeze %dma_start3A_398 : memref<1x32x512xf32, #tpu.memory_space<hbm>> -> memref<32x512xf32, #tpu.memory_space<hbm>>
      %dma_start3A_400 = arith.constant 0 : i32
      %dma_start3A_401 = arith.constant 0 : i32
      %dma_start3A_402 = tpu.memref_slice %arg6[%dma_start3A_389, %dma_start3A_400, %dma_start3A_401] : memref<5x32x512xf32, #tpu.memory_space<vmem>> -> memref<1x32x512xf32, #tpu.memory_space<vmem>>
      %dma_start3A_403 = tpu.memref_squeeze %dma_start3A_402 : memref<1x32x512xf32, #tpu.memory_space<vmem>> -> memref<32x512xf32, #tpu.memory_space<vmem>>
      tpu.enqueue_dma source(%dma_start3A_403 : memref<32x512xf32, #tpu.memory_space<vmem>>) target(%dma_start3A_399 : memref<32x512xf32, #tpu.memory_space<hbm>>) target_semaphore(%arg12 : memref<!tpu.dma_semaphore, #tpu.memory_space<semaphore_mem>>)
      %mul3A_404 = arith.constant 5 : i32
      %mul3A_405 = arith.muli %scan3A_313, %mul3A_404 : i32
      %add3A_406 = arith.constant 1 : i32
      %add3A_407 = arith.addi %mul3A_405, %add3A_406 : i32
      %add3A_408 = arith.constant 2 : i32
      %add3A_409 = arith.addi %add3A_407, %add3A_408 : i32
      %lt3A_410 = arith.constant 50 : i32
      %lt3A_411 = arith.cmpi slt, %add3A_409, %lt3A_410 : i32
      %add3A_412 = arith.constant 2 : i32
      %add3A_413 = arith.addi %add3A_407, %add3A_412 : i32
      %sub3A_414 = arith.constant 5 : i32
      %sub3A_415 = arith.subi %add3A_413, %sub3A_414 : i32
      %ge3A_416 = arith.constant 0 : i32
      %ge3A_417 = arith.cmpi sge, %sub3A_415, %ge3A_416 : i32
      %and3A_418 = arith.andi %lt3A_411, %ge3A_417 : i1
      %convert_element_type3A_419 = arith.extui %and3A_418 : i1 to i32
      %cond3A_420 = arith.constant 0 : i32
      %cond3A_421 = arith.cmpi ne, %convert_element_type3A_419, %cond3A_420 : i32
      scf.if %cond3A_421 {
        %add3A_776 = arith.constant 0 : i32
        %add3A_777 = arith.addi %mul3A_2, %add3A_776 : i32
        %jit3A_778 = arith.constant 32 : i32
        %div3A_779 = arith.divsi %add3A_777, %jit3A_778 : i32
        %sign3A_780 = arith.constant 0 : i32
        %sign3A_781 = arith.cmpi sgt, %add3A_777, %sign3A_780 : i32
        %sign3A_782 = arith.extui %sign3A_781 : i1 to i32
        %sign3A_783 = arith.constant 0 : i32
        %sign3A_784 = arith.cmpi slt, %add3A_777, %sign3A_783 : i32
        %sign3A_785 = arith.extui %sign3A_784 : i1 to i32
        %sign3A_786 = arith.subi %sign3A_782, %sign3A_785 : i32
        %sign3A_787 = arith.constant 0 : i32
        %sign3A_788 = arith.cmpi sgt, %jit3A_778, %sign3A_787 : i32
        %sign3A_789 = arith.extui %sign3A_788 : i1 to i32
        %sign3A_790 = arith.constant 0 : i32
        %sign3A_791 = arith.cmpi slt, %jit3A_778, %sign3A_790 : i32
        %sign3A_792 = arith.extui %sign3A_791 : i1 to i32
        %sign3A_793 = arith.subi %sign3A_789, %sign3A_792 : i32
        %ne3A_794 = arith.cmpi ne, %sign3A_786, %sign3A_793 : i32
        %rem3A_795 = arith.remsi %add3A_777, %jit3A_778 : i32
        %ne3A_796 = arith.constant 0 : i32
        %ne3A_797 = arith.cmpi ne, %rem3A_795, %ne3A_796 : i32
        %and3A_798 = arith.andi %ne3A_794, %ne3A_797 : i1
        %sub3A_799 = arith.constant 1 : i32
        %sub3A_800 = arith.subi %div3A_779, %sub3A_799 : i32
        %select_n3A_801 = arith.select %and3A_798, %sub3A_800, %div3A_779 : i32
        %jit3A_802 = arith.constant 32 : i32
        %eq3A_803 = arith.constant 0 : i32
        %eq3A_804 = arith.cmpi eq, %jit3A_802, %eq3A_803 : i32
        %jit3A_805 = arith.constant 1 : i32
        %select_n3A_806 = arith.select %eq3A_804, %jit3A_805, %jit3A_802 : i32
        %rem3A_807 = arith.remsi %add3A_777, %select_n3A_806 : i32
        %ne3A_808 = arith.constant 0 : i32
        %ne3A_809 = arith.cmpi ne, %rem3A_807, %ne3A_808 : i32
        %lt3A_810 = arith.constant 0 : i32
        %lt3A_811 = arith.cmpi slt, %rem3A_807, %lt3A_810 : i32
        %lt3A_812 = arith.constant 0 : i32
        %lt3A_813 = arith.cmpi slt, %select_n3A_806, %lt3A_812 : i32
        %ne3A_814 = arith.xori %lt3A_811, %lt3A_813 : i1
        %and3A_815 = arith.andi %ne3A_814, %ne3A_809 : i1
        %add3A_816 = arith.addi %rem3A_807, %select_n3A_806 : i32
        %select_n3A_817 = arith.select %and3A_815, %add3A_816, %rem3A_807 : i32
        %mul3A_818 = arith.constant 32 : i32
        %mul3A_819 = arith.muli %select_n3A_817, %mul3A_818 : i32
        %dma_wait3A_820 = arith.constant 3 : i32
        %dma_wait3A_821 = arith.constant 0 : i32
        %dma_wait3A_822 = arith.constant 0 : i32
        %dma_wait3A_823 = tpu.memref_slice %arg6[%dma_wait3A_820, %dma_wait3A_821, %dma_wait3A_822] : memref<5x32x512xf32, #tpu.memory_space<vmem>> -> memref<1x32x512xf32, #tpu.memory_space<vmem>>
        %dma_wait3A_824 = tpu.memref_squeeze %dma_wait3A_823 : memref<1x32x512xf32, #tpu.memory_space<vmem>> -> memref<32x512xf32, #tpu.memory_space<vmem>>
        %dma_wait3A_825 = arith.constant 0 : i32
        %dma_wait3A_826 = tpu.memref_slice %arg4[%select_n3A_801, %mul3A_819, %dma_wait3A_825] : memref<50x1024x512xf32, #tpu.memory_space<hbm>> -> memref<1x32x512xf32, #tpu.memory_space<hbm>>
        %dma_wait3A_827 = tpu.memref_squeeze %dma_wait3A_826 : memref<1x32x512xf32, #tpu.memory_space<hbm>> -> memref<32x512xf32, #tpu.memory_space<hbm>>
        %dma_wait3A_828 = arith.constant 0 : i32
        %dma_wait3A_829 = tpu.memref_slice %arg4[%select_n3A_801, %mul3A_819, %dma_wait3A_828] : memref<50x1024x512xf32, #tpu.memory_space<hbm>> -> memref<1x32x512xf32, #tpu.memory_space<hbm>>
        %dma_wait3A_830 = tpu.memref_squeeze %dma_wait3A_829 : memref<1x32x512xf32, #tpu.memory_space<hbm>> -> memref<32x512xf32, #tpu.memory_space<hbm>>
        %dma_wait3A_831 = arith.constant 0 : i32
        %dma_wait3A_832 = arith.constant 0 : i32
        %dma_wait3A_833 = tpu.memref_slice %arg6[%dma_wait3A_820, %dma_wait3A_831, %dma_wait3A_832] : memref<5x32x512xf32, #tpu.memory_space<vmem>> -> memref<1x32x512xf32, #tpu.memory_space<vmem>>
        %dma_wait3A_834 = tpu.memref_squeeze %dma_wait3A_833 : memref<1x32x512xf32, #tpu.memory_space<vmem>> -> memref<32x512xf32, #tpu.memory_space<vmem>>
        tpu.wait_dma2 semaphore(%arg15 : memref<!tpu.dma_semaphore, #tpu.memory_space<semaphore_mem>>) src(%dma_wait3A_834 : memref<32x512xf32, #tpu.memory_space<vmem>>) dst(%dma_wait3A_830 : memref<32x512xf32, #tpu.memory_space<hbm>>)
      } else {
      }
      %add3A_422 = arith.constant 2 : i32
      %add3A_423 = arith.addi %add3A_407, %add3A_422 : i32
      %lt3A_424 = arith.constant 50 : i32
      %lt3A_425 = arith.cmpi slt, %add3A_423, %lt3A_424 : i32
      %convert_element_type3A_426 = arith.extui %lt3A_425 : i1 to i32
      %cond3A_427 = arith.constant 0 : i32
      %cond3A_428 = arith.cmpi ne, %convert_element_type3A_426, %cond3A_427 : i32
      scf.if %cond3A_428 {
        %add3A_776 = arith.constant 2 : i32
        %add3A_777 = arith.addi %add3A_407, %add3A_776 : i32
        %mul3A_778 = arith.constant 32 : i32
        %mul3A_779 = arith.muli %add3A_777, %mul3A_778 : i32
        %dma_start3A_780 = arith.constant 3 : i32
        %dma_start3A_781 = arith.constant 0 : i32
        %dma_start3A_782 = arith.constant 0 : i32
        %dma_start3A_783 = tpu.memref_slice %arg6[%dma_start3A_780, %dma_start3A_781, %dma_start3A_782] : memref<5x32x512xf32, #tpu.memory_space<vmem>> -> memref<1x32x512xf32, #tpu.memory_space<vmem>>
        %dma_start3A_784 = tpu.memref_squeeze %dma_start3A_783 : memref<1x32x512xf32, #tpu.memory_space<vmem>> -> memref<32x512xf32, #tpu.memory_space<vmem>>
        %dma_start3A_785 = tpu.memref_slice %arg5[%mul3A_779] : memref<1600xi32, #tpu.memory_space<vmem>> -> memref<32xi32, #tpu.memory_space<vmem>>
        %dma_start3A_786 = arith.constant 0 : i32
        %dma_start3A_787 = arith.constant 0 : i32
        %dma_start3A_788 = tpu.memref_slice %arg2[%dma_start3A_786, %dma_start3A_787] : memref<1000x512xf32, #tpu.memory_space<hbm>> -> memref<1000x512xf32, #tpu.memory_space<hbm>>
        tpu.enqueue_indirect_dma source(%dma_start3A_788 : memref<1000x512xf32, #tpu.memory_space<hbm>>) target(%dma_start3A_784 : memref<32x512xf32, #tpu.memory_space<vmem>>) offsets(%dma_start3A_785 : memref<32xi32, #tpu.memory_space<vmem>>) semaphore(%arg10 : memref<!tpu.dma_semaphore, #tpu.memory_space<semaphore_mem>>)
      } else {
      }
      %dma_wait3A_429 = arith.constant 1 : i32
      %dma_wait3A_430 = arith.constant 0 : i32
      %dma_wait3A_431 = arith.constant 0 : i32
      %dma_wait3A_432 = tpu.memref_slice %arg6[%dma_wait3A_429, %dma_wait3A_430, %dma_wait3A_431] : memref<5x32x512xf32, #tpu.memory_space<vmem>> -> memref<1x32x512xf32, #tpu.memory_space<vmem>>
      %dma_wait3A_433 = tpu.memref_squeeze %dma_wait3A_432 : memref<1x32x512xf32, #tpu.memory_space<vmem>> -> memref<32x512xf32, #tpu.memory_space<vmem>>
      %dma_wait3A_434 = arith.constant 0 : i32
      %dma_wait3A_435 = tpu.memref_slice %arg5[%dma_wait3A_434] : memref<1600xi32, #tpu.memory_space<vmem>> -> memref<32xi32, #tpu.memory_space<vmem>>
      %dma_wait3A_436 = arith.constant 0 : i32
      %dma_wait3A_437 = arith.constant 0 : i32
      %dma_wait3A_438 = tpu.memref_slice %arg2[%dma_wait3A_436, %dma_wait3A_437] : memref<1000x512xf32, #tpu.memory_space<hbm>> -> memref<1000x512xf32, #tpu.memory_space<hbm>>
      tpu.wait_indirect_dma semaphore(%arg8 : memref<!tpu.dma_semaphore, #tpu.memory_space<semaphore_mem>>) src(%dma_wait3A_438 : memref<1000x512xf32, #tpu.memory_space<hbm>>) dst(%dma_wait3A_433 : memref<32x512xf32, #tpu.memory_space<vmem>>)
      %add3A_439 = arith.addi %mul3A_2, %add3A_407 : i32
      %jit3A_440 = arith.constant 32 : i32
      %div3A_441 = arith.divsi %add3A_439, %jit3A_440 : i32
      %sign3A_442 = arith.constant 0 : i32
      %sign3A_443 = arith.cmpi sgt, %add3A_439, %sign3A_442 : i32
      %sign3A_444 = arith.extui %sign3A_443 : i1 to i32
      %sign3A_445 = arith.constant 0 : i32
      %sign3A_446 = arith.cmpi slt, %add3A_439, %sign3A_445 : i32
      %sign3A_447 = arith.extui %sign3A_446 : i1 to i32
      %sign3A_448 = arith.subi %sign3A_444, %sign3A_447 : i32
      %sign3A_449 = arith.constant 0 : i32
      %sign3A_450 = arith.cmpi sgt, %jit3A_440, %sign3A_449 : i32
      %sign3A_451 = arith.extui %sign3A_450 : i1 to i32
      %sign3A_452 = arith.constant 0 : i32
      %sign3A_453 = arith.cmpi slt, %jit3A_440, %sign3A_452 : i32
      %sign3A_454 = arith.extui %sign3A_453 : i1 to i32
      %sign3A_455 = arith.subi %sign3A_451, %sign3A_454 : i32
      %ne3A_456 = arith.cmpi ne, %sign3A_448, %sign3A_455 : i32
      %rem3A_457 = arith.remsi %add3A_439, %jit3A_440 : i32
      %ne3A_458 = arith.constant 0 : i32
      %ne3A_459 = arith.cmpi ne, %rem3A_457, %ne3A_458 : i32
      %and3A_460 = arith.andi %ne3A_456, %ne3A_459 : i1
      %sub3A_461 = arith.constant 1 : i32
      %sub3A_462 = arith.subi %div3A_441, %sub3A_461 : i32
      %select_n3A_463 = arith.select %and3A_460, %sub3A_462, %div3A_441 : i32
      %jit3A_464 = arith.constant 32 : i32
      %eq3A_465 = arith.constant 0 : i32
      %eq3A_466 = arith.cmpi eq, %jit3A_464, %eq3A_465 : i32
      %jit3A_467 = arith.constant 1 : i32
      %select_n3A_468 = arith.select %eq3A_466, %jit3A_467, %jit3A_464 : i32
      %rem3A_469 = arith.remsi %add3A_439, %select_n3A_468 : i32
      %ne3A_470 = arith.constant 0 : i32
      %ne3A_471 = arith.cmpi ne, %rem3A_469, %ne3A_470 : i32
      %lt3A_472 = arith.constant 0 : i32
      %lt3A_473 = arith.cmpi slt, %rem3A_469, %lt3A_472 : i32
      %lt3A_474 = arith.constant 0 : i32
      %lt3A_475 = arith.cmpi slt, %select_n3A_468, %lt3A_474 : i32
      %ne3A_476 = arith.xori %lt3A_473, %lt3A_475 : i1
      %and3A_477 = arith.andi %ne3A_476, %ne3A_471 : i1
      %add3A_478 = arith.addi %rem3A_469, %select_n3A_468 : i32
      %select_n3A_479 = arith.select %and3A_477, %add3A_478, %rem3A_469 : i32
      %mul3A_480 = arith.constant 32 : i32
      %mul3A_481 = arith.muli %select_n3A_479, %mul3A_480 : i32
      %dma_start3A_482 = arith.constant 1 : i32
      %dma_start3A_483 = arith.constant 0 : i32
      %dma_start3A_484 = arith.constant 0 : i32
      %dma_start3A_485 = tpu.memref_slice %arg6[%dma_start3A_482, %dma_start3A_483, %dma_start3A_484] : memref<5x32x512xf32, #tpu.memory_space<vmem>> -> memref<1x32x512xf32, #tpu.memory_space<vmem>>
      %dma_start3A_486 = tpu.memref_squeeze %dma_start3A_485 : memref<1x32x512xf32, #tpu.memory_space<vmem>> -> memref<32x512xf32, #tpu.memory_space<vmem>>
      %dma_start3A_487 = arith.constant 0 : i32
      %dma_start3A_488 = tpu.memref_slice %arg4[%select_n3A_463, %mul3A_481, %dma_start3A_487] : memref<50x1024x512xf32, #tpu.memory_space<hbm>> -> memref<1x32x512xf32, #tpu.memory_space<hbm>>
      %dma_start3A_489 = tpu.memref_squeeze %dma_start3A_488 : memref<1x32x512xf32, #tpu.memory_space<hbm>> -> memref<32x512xf32, #tpu.memory_space<hbm>>
      %dma_start3A_490 = arith.constant 0 : i32
      %dma_start3A_491 = tpu.memref_slice %arg4[%select_n3A_463, %mul3A_481, %dma_start3A_490] : memref<50x1024x512xf32, #tpu.memory_space<hbm>> -> memref<1x32x512xf32, #tpu.memory_space<hbm>>
      %dma_start3A_492 = tpu.memref_squeeze %dma_start3A_491 : memref<1x32x512xf32, #tpu.memory_space<hbm>> -> memref<32x512xf32, #tpu.memory_space<hbm>>
      %dma_start3A_493 = arith.constant 0 : i32
      %dma_start3A_494 = arith.constant 0 : i32
      %dma_start3A_495 = tpu.memref_slice %arg6[%dma_start3A_482, %dma_start3A_493, %dma_start3A_494] : memref<5x32x512xf32, #tpu.memory_space<vmem>> -> memref<1x32x512xf32, #tpu.memory_space<vmem>>
      %dma_start3A_496 = tpu.memref_squeeze %dma_start3A_495 : memref<1x32x512xf32, #tpu.memory_space<vmem>> -> memref<32x512xf32, #tpu.memory_space<vmem>>
      tpu.enqueue_dma source(%dma_start3A_496 : memref<32x512xf32, #tpu.memory_space<vmem>>) target(%dma_start3A_492 : memref<32x512xf32, #tpu.memory_space<hbm>>) target_semaphore(%arg13 : memref<!tpu.dma_semaphore, #tpu.memory_space<semaphore_mem>>)
      %mul3A_497 = arith.constant 5 : i32
      %mul3A_498 = arith.muli %scan3A_313, %mul3A_497 : i32
      %add3A_499 = arith.constant 2 : i32
      %add3A_500 = arith.addi %mul3A_498, %add3A_499 : i32
      %add3A_501 = arith.constant 2 : i32
      %add3A_502 = arith.addi %add3A_500, %add3A_501 : i32
      %lt3A_503 = arith.constant 50 : i32
      %lt3A_504 = arith.cmpi slt, %add3A_502, %lt3A_503 : i32
      %add3A_505 = arith.constant 2 : i32
      %add3A_506 = arith.addi %add3A_500, %add3A_505 : i32
      %sub3A_507 = arith.constant 5 : i32
      %sub3A_508 = arith.subi %add3A_506, %sub3A_507 : i32
      %ge3A_509 = arith.constant 0 : i32
      %ge3A_510 = arith.cmpi sge, %sub3A_508, %ge3A_509 : i32
      %and3A_511 = arith.andi %lt3A_504, %ge3A_510 : i1
      %convert_element_type3A_512 = arith.extui %and3A_511 : i1 to i32
      %cond3A_513 = arith.constant 0 : i32
      %cond3A_514 = arith.cmpi ne, %convert_element_type3A_512, %cond3A_513 : i32
      scf.if %cond3A_514 {
        %add3A_776 = arith.constant 0 : i32
        %add3A_777 = arith.addi %mul3A_2, %add3A_776 : i32
        %jit3A_778 = arith.constant 32 : i32
        %div3A_779 = arith.divsi %add3A_777, %jit3A_778 : i32
        %sign3A_780 = arith.constant 0 : i32
        %sign3A_781 = arith.cmpi sgt, %add3A_777, %sign3A_780 : i32
        %sign3A_782 = arith.extui %sign3A_781 : i1 to i32
        %sign3A_783 = arith.constant 0 : i32
        %sign3A_784 = arith.cmpi slt, %add3A_777, %sign3A_783 : i32
        %sign3A_785 = arith.extui %sign3A_784 : i1 to i32
        %sign3A_786 = arith.subi %sign3A_782, %sign3A_785 : i32
        %sign3A_787 = arith.constant 0 : i32
        %sign3A_788 = arith.cmpi sgt, %jit3A_778, %sign3A_787 : i32
        %sign3A_789 = arith.extui %sign3A_788 : i1 to i32
        %sign3A_790 = arith.constant 0 : i32
        %sign3A_791 = arith.cmpi slt, %jit3A_778, %sign3A_790 : i32
        %sign3A_792 = arith.extui %sign3A_791 : i1 to i32
        %sign3A_793 = arith.subi %sign3A_789, %sign3A_792 : i32
        %ne3A_794 = arith.cmpi ne, %sign3A_786, %sign3A_793 : i32
        %rem3A_795 = arith.remsi %add3A_777, %jit3A_778 : i32
        %ne3A_796 = arith.constant 0 : i32
        %ne3A_797 = arith.cmpi ne, %rem3A_795, %ne3A_796 : i32
        %and3A_798 = arith.andi %ne3A_794, %ne3A_797 : i1
        %sub3A_799 = arith.constant 1 : i32
        %sub3A_800 = arith.subi %div3A_779, %sub3A_799 : i32
        %select_n3A_801 = arith.select %and3A_798, %sub3A_800, %div3A_779 : i32
        %jit3A_802 = arith.constant 32 : i32
        %eq3A_803 = arith.constant 0 : i32
        %eq3A_804 = arith.cmpi eq, %jit3A_802, %eq3A_803 : i32
        %jit3A_805 = arith.constant 1 : i32
        %select_n3A_806 = arith.select %eq3A_804, %jit3A_805, %jit3A_802 : i32
        %rem3A_807 = arith.remsi %add3A_777, %select_n3A_806 : i32
        %ne3A_808 = arith.constant 0 : i32
        %ne3A_809 = arith.cmpi ne, %rem3A_807, %ne3A_808 : i32
        %lt3A_810 = arith.constant 0 : i32
        %lt3A_811 = arith.cmpi slt, %rem3A_807, %lt3A_810 : i32
        %lt3A_812 = arith.constant 0 : i32
        %lt3A_813 = arith.cmpi slt, %select_n3A_806, %lt3A_812 : i32
        %ne3A_814 = arith.xori %lt3A_811, %lt3A_813 : i1
        %and3A_815 = arith.andi %ne3A_814, %ne3A_809 : i1
        %add3A_816 = arith.addi %rem3A_807, %select_n3A_806 : i32
        %select_n3A_817 = arith.select %and3A_815, %add3A_816, %rem3A_807 : i32
        %mul3A_818 = arith.constant 32 : i32
        %mul3A_819 = arith.muli %select_n3A_817, %mul3A_818 : i32
        %dma_wait3A_820 = arith.constant 4 : i32
        %dma_wait3A_821 = arith.constant 0 : i32
        %dma_wait3A_822 = arith.constant 0 : i32
        %dma_wait3A_823 = tpu.memref_slice %arg6[%dma_wait3A_820, %dma_wait3A_821, %dma_wait3A_822] : memref<5x32x512xf32, #tpu.memory_space<vmem>> -> memref<1x32x512xf32, #tpu.memory_space<vmem>>
        %dma_wait3A_824 = tpu.memref_squeeze %dma_wait3A_823 : memref<1x32x512xf32, #tpu.memory_space<vmem>> -> memref<32x512xf32, #tpu.memory_space<vmem>>
        %dma_wait3A_825 = arith.constant 0 : i32
        %dma_wait3A_826 = tpu.memref_slice %arg4[%select_n3A_801, %mul3A_819, %dma_wait3A_825] : memref<50x1024x512xf32, #tpu.memory_space<hbm>> -> memref<1x32x512xf32, #tpu.memory_space<hbm>>
        %dma_wait3A_827 = tpu.memref_squeeze %dma_wait3A_826 : memref<1x32x512xf32, #tpu.memory_space<hbm>> -> memref<32x512xf32, #tpu.memory_space<hbm>>
        %dma_wait3A_828 = arith.constant 0 : i32
        %dma_wait3A_829 = tpu.memref_slice %arg4[%select_n3A_801, %mul3A_819, %dma_wait3A_828] : memref<50x1024x512xf32, #tpu.memory_space<hbm>> -> memref<1x32x512xf32, #tpu.memory_space<hbm>>
        %dma_wait3A_830 = tpu.memref_squeeze %dma_wait3A_829 : memref<1x32x512xf32, #tpu.memory_space<hbm>> -> memref<32x512xf32, #tpu.memory_space<hbm>>
        %dma_wait3A_831 = arith.constant 0 : i32
        %dma_wait3A_832 = arith.constant 0 : i32
        %dma_wait3A_833 = tpu.memref_slice %arg6[%dma_wait3A_820, %dma_wait3A_831, %dma_wait3A_832] : memref<5x32x512xf32, #tpu.memory_space<vmem>> -> memref<1x32x512xf32, #tpu.memory_space<vmem>>
        %dma_wait3A_834 = tpu.memref_squeeze %dma_wait3A_833 : memref<1x32x512xf32, #tpu.memory_space<vmem>> -> memref<32x512xf32, #tpu.memory_space<vmem>>
        tpu.wait_dma2 semaphore(%arg16 : memref<!tpu.dma_semaphore, #tpu.memory_space<semaphore_mem>>) src(%dma_wait3A_834 : memref<32x512xf32, #tpu.memory_space<vmem>>) dst(%dma_wait3A_830 : memref<32x512xf32, #tpu.memory_space<hbm>>)
      } else {
      }
      %add3A_515 = arith.constant 2 : i32
      %add3A_516 = arith.addi %add3A_500, %add3A_515 : i32
      %lt3A_517 = arith.constant 50 : i32
      %lt3A_518 = arith.cmpi slt, %add3A_516, %lt3A_517 : i32
      %convert_element_type3A_519 = arith.extui %lt3A_518 : i1 to i32
      %cond3A_520 = arith.constant 0 : i32
      %cond3A_521 = arith.cmpi ne, %convert_element_type3A_519, %cond3A_520 : i32
      scf.if %cond3A_521 {
        %add3A_776 = arith.constant 2 : i32
        %add3A_777 = arith.addi %add3A_500, %add3A_776 : i32
        %mul3A_778 = arith.constant 32 : i32
        %mul3A_779 = arith.muli %add3A_777, %mul3A_778 : i32
        %dma_start3A_780 = arith.constant 4 : i32
        %dma_start3A_781 = arith.constant 0 : i32
        %dma_start3A_782 = arith.constant 0 : i32
        %dma_start3A_783 = tpu.memref_slice %arg6[%dma_start3A_780, %dma_start3A_781, %dma_start3A_782] : memref<5x32x512xf32, #tpu.memory_space<vmem>> -> memref<1x32x512xf32, #tpu.memory_space<vmem>>
        %dma_start3A_784 = tpu.memref_squeeze %dma_start3A_783 : memref<1x32x512xf32, #tpu.memory_space<vmem>> -> memref<32x512xf32, #tpu.memory_space<vmem>>
        %dma_start3A_785 = tpu.memref_slice %arg5[%mul3A_779] : memref<1600xi32, #tpu.memory_space<vmem>> -> memref<32xi32, #tpu.memory_space<vmem>>
        %dma_start3A_786 = arith.constant 0 : i32
        %dma_start3A_787 = arith.constant 0 : i32
        %dma_start3A_788 = tpu.memref_slice %arg2[%dma_start3A_786, %dma_start3A_787] : memref<1000x512xf32, #tpu.memory_space<hbm>> -> memref<1000x512xf32, #tpu.memory_space<hbm>>
        tpu.enqueue_indirect_dma source(%dma_start3A_788 : memref<1000x512xf32, #tpu.memory_space<hbm>>) target(%dma_start3A_784 : memref<32x512xf32, #tpu.memory_space<vmem>>) offsets(%dma_start3A_785 : memref<32xi32, #tpu.memory_space<vmem>>) semaphore(%arg11 : memref<!tpu.dma_semaphore, #tpu.memory_space<semaphore_mem>>)
      } else {
      }
      %dma_wait3A_522 = arith.constant 2 : i32
      %dma_wait3A_523 = arith.constant 0 : i32
      %dma_wait3A_524 = arith.constant 0 : i32
      %dma_wait3A_525 = tpu.memref_slice %arg6[%dma_wait3A_522, %dma_wait3A_523, %dma_wait3A_524] : memref<5x32x512xf32, #tpu.memory_space<vmem>> -> memref<1x32x512xf32, #tpu.memory_space<vmem>>
      %dma_wait3A_526 = tpu.memref_squeeze %dma_wait3A_525 : memref<1x32x512xf32, #tpu.memory_space<vmem>> -> memref<32x512xf32, #tpu.memory_space<vmem>>
      %dma_wait3A_527 = arith.constant 0 : i32
      %dma_wait3A_528 = tpu.memref_slice %arg5[%dma_wait3A_527] : memref<1600xi32, #tpu.memory_space<vmem>> -> memref<32xi32, #tpu.memory_space<vmem>>
      %dma_wait3A_529 = arith.constant 0 : i32
      %dma_wait3A_530 = arith.constant 0 : i32
      %dma_wait3A_531 = tpu.memref_slice %arg2[%dma_wait3A_529, %dma_wait3A_530] : memref<1000x512xf32, #tpu.memory_space<hbm>> -> memref<1000x512xf32, #tpu.memory_space<hbm>>
      tpu.wait_indirect_dma semaphore(%arg9 : memref<!tpu.dma_semaphore, #tpu.memory_space<semaphore_mem>>) src(%dma_wait3A_531 : memref<1000x512xf32, #tpu.memory_space<hbm>>) dst(%dma_wait3A_526 : memref<32x512xf32, #tpu.memory_space<vmem>>)
      %add3A_532 = arith.addi %mul3A_2, %add3A_500 : i32
      %jit3A_533 = arith.constant 32 : i32
      %div3A_534 = arith.divsi %add3A_532, %jit3A_533 : i32
      %sign3A_535 = arith.constant 0 : i32
      %sign3A_536 = arith.cmpi sgt, %add3A_532, %sign3A_535 : i32
      %sign3A_537 = arith.extui %sign3A_536 : i1 to i32
      %sign3A_538 = arith.constant 0 : i32
      %sign3A_539 = arith.cmpi slt, %add3A_532, %sign3A_538 : i32
      %sign3A_540 = arith.extui %sign3A_539 : i1 to i32
      %sign3A_541 = arith.subi %sign3A_537, %sign3A_540 : i32
      %sign3A_542 = arith.constant 0 : i32
      %sign3A_543 = arith.cmpi sgt, %jit3A_533, %sign3A_542 : i32
      %sign3A_544 = arith.extui %sign3A_543 : i1 to i32
      %sign3A_545 = arith.constant 0 : i32
      %sign3A_546 = arith.cmpi slt, %jit3A_533, %sign3A_545 : i32
      %sign3A_547 = arith.extui %sign3A_546 : i1 to i32
      %sign3A_548 = arith.subi %sign3A_544, %sign3A_547 : i32
      %ne3A_549 = arith.cmpi ne, %sign3A_541, %sign3A_548 : i32
      %rem3A_550 = arith.remsi %add3A_532, %jit3A_533 : i32
      %ne3A_551 = arith.constant 0 : i32
      %ne3A_552 = arith.cmpi ne, %rem3A_550, %ne3A_551 : i32
      %and3A_553 = arith.andi %ne3A_549, %ne3A_552 : i1
      %sub3A_554 = arith.constant 1 : i32
      %sub3A_555 = arith.subi %div3A_534, %sub3A_554 : i32
      %select_n3A_556 = arith.select %and3A_553, %sub3A_555, %div3A_534 : i32
      %jit3A_557 = arith.constant 32 : i32
      %eq3A_558 = arith.constant 0 : i32
      %eq3A_559 = arith.cmpi eq, %jit3A_557, %eq3A_558 : i32
      %jit3A_560 = arith.constant 1 : i32
      %select_n3A_561 = arith.select %eq3A_559, %jit3A_560, %jit3A_557 : i32
      %rem3A_562 = arith.remsi %add3A_532, %select_n3A_561 : i32
      %ne3A_563 = arith.constant 0 : i32
      %ne3A_564 = arith.cmpi ne, %rem3A_562, %ne3A_563 : i32
      %lt3A_565 = arith.constant 0 : i32
      %lt3A_566 = arith.cmpi slt, %rem3A_562, %lt3A_565 : i32
      %lt3A_567 = arith.constant 0 : i32
      %lt3A_568 = arith.cmpi slt, %select_n3A_561, %lt3A_567 : i32
      %ne3A_569 = arith.xori %lt3A_566, %lt3A_568 : i1
      %and3A_570 = arith.andi %ne3A_569, %ne3A_564 : i1
      %add3A_571 = arith.addi %rem3A_562, %select_n3A_561 : i32
      %select_n3A_572 = arith.select %and3A_570, %add3A_571, %rem3A_562 : i32
      %mul3A_573 = arith.constant 32 : i32
      %mul3A_574 = arith.muli %select_n3A_572, %mul3A_573 : i32
      %dma_start3A_575 = arith.constant 2 : i32
      %dma_start3A_576 = arith.constant 0 : i32
      %dma_start3A_577 = arith.constant 0 : i32
      %dma_start3A_578 = tpu.memref_slice %arg6[%dma_start3A_575, %dma_start3A_576, %dma_start3A_577] : memref<5x32x512xf32, #tpu.memory_space<vmem>> -> memref<1x32x512xf32, #tpu.memory_space<vmem>>
      %dma_start3A_579 = tpu.memref_squeeze %dma_start3A_578 : memref<1x32x512xf32, #tpu.memory_space<vmem>> -> memref<32x512xf32, #tpu.memory_space<vmem>>
      %dma_start3A_580 = arith.constant 0 : i32
      %dma_start3A_581 = tpu.memref_slice %arg4[%select_n3A_556, %mul3A_574, %dma_start3A_580] : memref<50x1024x512xf32, #tpu.memory_space<hbm>> -> memref<1x32x512xf32, #tpu.memory_space<hbm>>
      %dma_start3A_582 = tpu.memref_squeeze %dma_start3A_581 : memref<1x32x512xf32, #tpu.memory_space<hbm>> -> memref<32x512xf32, #tpu.memory_space<hbm>>
      %dma_start3A_583 = arith.constant 0 : i32
      %dma_start3A_584 = tpu.memref_slice %arg4[%select_n3A_556, %mul3A_574, %dma_start3A_583] : memref<50x1024x512xf32, #tpu.memory_space<hbm>> -> memref<1x32x512xf32, #tpu.memory_space<hbm>>
      %dma_start3A_585 = tpu.memref_squeeze %dma_start3A_584 : memref<1x32x512xf32, #tpu.memory_space<hbm>> -> memref<32x512xf32, #tpu.memory_space<hbm>>
      %dma_start3A_586 = arith.constant 0 : i32
      %dma_start3A_587 = arith.constant 0 : i32
      %dma_start3A_588 = tpu.memref_slice %arg6[%dma_start3A_575, %dma_start3A_586, %dma_start3A_587] : memref<5x32x512xf32, #tpu.memory_space<vmem>> -> memref<1x32x512xf32, #tpu.memory_space<vmem>>
      %dma_start3A_589 = tpu.memref_squeeze %dma_start3A_588 : memref<1x32x512xf32, #tpu.memory_space<vmem>> -> memref<32x512xf32, #tpu.memory_space<vmem>>
      tpu.enqueue_dma source(%dma_start3A_589 : memref<32x512xf32, #tpu.memory_space<vmem>>) target(%dma_start3A_585 : memref<32x512xf32, #tpu.memory_space<hbm>>) target_semaphore(%arg14 : memref<!tpu.dma_semaphore, #tpu.memory_space<semaphore_mem>>)
      %mul3A_590 = arith.constant 5 : i32
      %mul3A_591 = arith.muli %scan3A_313, %mul3A_590 : i32
      %add3A_592 = arith.constant 3 : i32
      %add3A_593 = arith.addi %mul3A_591, %add3A_592 : i32
      %add3A_594 = arith.constant 2 : i32
      %add3A_595 = arith.addi %add3A_593, %add3A_594 : i32
      %lt3A_596 = arith.constant 50 : i32
      %lt3A_597 = arith.cmpi slt, %add3A_595, %lt3A_596 : i32
      %add3A_598 = arith.constant 2 : i32
      %add3A_599 = arith.addi %add3A_593, %add3A_598 : i32
      %sub3A_600 = arith.constant 5 : i32
      %sub3A_601 = arith.subi %add3A_599, %sub3A_600 : i32
      %ge3A_602 = arith.constant 0 : i32
      %ge3A_603 = arith.cmpi sge, %sub3A_601, %ge3A_602 : i32
      %and3A_604 = arith.andi %lt3A_597, %ge3A_603 : i1
      %convert_element_type3A_605 = arith.extui %and3A_604 : i1 to i32
      %cond3A_606 = arith.constant 0 : i32
      %cond3A_607 = arith.cmpi ne, %convert_element_type3A_605, %cond3A_606 : i32
      scf.if %cond3A_607 {
        %add3A_776 = arith.constant 0 : i32
        %add3A_777 = arith.addi %mul3A_2, %add3A_776 : i32
        %jit3A_778 = arith.constant 32 : i32
        %div3A_779 = arith.divsi %add3A_777, %jit3A_778 : i32
        %sign3A_780 = arith.constant 0 : i32
        %sign3A_781 = arith.cmpi sgt, %add3A_777, %sign3A_780 : i32
        %sign3A_782 = arith.extui %sign3A_781 : i1 to i32
        %sign3A_783 = arith.constant 0 : i32
        %sign3A_784 = arith.cmpi slt, %add3A_777, %sign3A_783 : i32
        %sign3A_785 = arith.extui %sign3A_784 : i1 to i32
        %sign3A_786 = arith.subi %sign3A_782, %sign3A_785 : i32
        %sign3A_787 = arith.constant 0 : i32
        %sign3A_788 = arith.cmpi sgt, %jit3A_778, %sign3A_787 : i32
        %sign3A_789 = arith.extui %sign3A_788 : i1 to i32
        %sign3A_790 = arith.constant 0 : i32
        %sign3A_791 = arith.cmpi slt, %jit3A_778, %sign3A_790 : i32
        %sign3A_792 = arith.extui %sign3A_791 : i1 to i32
        %sign3A_793 = arith.subi %sign3A_789, %sign3A_792 : i32
        %ne3A_794 = arith.cmpi ne, %sign3A_786, %sign3A_793 : i32
        %rem3A_795 = arith.remsi %add3A_777, %jit3A_778 : i32
        %ne3A_796 = arith.constant 0 : i32
        %ne3A_797 = arith.cmpi ne, %rem3A_795, %ne3A_796 : i32
        %and3A_798 = arith.andi %ne3A_794, %ne3A_797 : i1
        %sub3A_799 = arith.constant 1 : i32
        %sub3A_800 = arith.subi %div3A_779, %sub3A_799 : i32
        %select_n3A_801 = arith.select %and3A_798, %sub3A_800, %div3A_779 : i32
        %jit3A_802 = arith.constant 32 : i32
        %eq3A_803 = arith.constant 0 : i32
        %eq3A_804 = arith.cmpi eq, %jit3A_802, %eq3A_803 : i32
        %jit3A_805 = arith.constant 1 : i32
        %select_n3A_806 = arith.select %eq3A_804, %jit3A_805, %jit3A_802 : i32
        %rem3A_807 = arith.remsi %add3A_777, %select_n3A_806 : i32
        %ne3A_808 = arith.constant 0 : i32
        %ne3A_809 = arith.cmpi ne, %rem3A_807, %ne3A_808 : i32
        %lt3A_810 = arith.constant 0 : i32
        %lt3A_811 = arith.cmpi slt, %rem3A_807, %lt3A_810 : i32
        %lt3A_812 = arith.constant 0 : i32
        %lt3A_813 = arith.cmpi slt, %select_n3A_806, %lt3A_812 : i32
        %ne3A_814 = arith.xori %lt3A_811, %lt3A_813 : i1
        %and3A_815 = arith.andi %ne3A_814, %ne3A_809 : i1
        %add3A_816 = arith.addi %rem3A_807, %select_n3A_806 : i32
        %select_n3A_817 = arith.select %and3A_815, %add3A_816, %rem3A_807 : i32
        %mul3A_818 = arith.constant 32 : i32
        %mul3A_819 = arith.muli %select_n3A_817, %mul3A_818 : i32
        %dma_wait3A_820 = arith.constant 0 : i32
        %dma_wait3A_821 = arith.constant 0 : i32
        %dma_wait3A_822 = arith.constant 0 : i32
        %dma_wait3A_823 = tpu.memref_slice %arg6[%dma_wait3A_820, %dma_wait3A_821, %dma_wait3A_822] : memref<5x32x512xf32, #tpu.memory_space<vmem>> -> memref<1x32x512xf32, #tpu.memory_space<vmem>>
        %dma_wait3A_824 = tpu.memref_squeeze %dma_wait3A_823 : memref<1x32x512xf32, #tpu.memory_space<vmem>> -> memref<32x512xf32, #tpu.memory_space<vmem>>
        %dma_wait3A_825 = arith.constant 0 : i32
        %dma_wait3A_826 = tpu.memref_slice %arg4[%select_n3A_801, %mul3A_819, %dma_wait3A_825] : memref<50x1024x512xf32, #tpu.memory_space<hbm>> -> memref<1x32x512xf32, #tpu.memory_space<hbm>>
        %dma_wait3A_827 = tpu.memref_squeeze %dma_wait3A_826 : memref<1x32x512xf32, #tpu.memory_space<hbm>> -> memref<32x512xf32, #tpu.memory_space<hbm>>
        %dma_wait3A_828 = arith.constant 0 : i32
        %dma_wait3A_829 = tpu.memref_slice %arg4[%select_n3A_801, %mul3A_819, %dma_wait3A_828] : memref<50x1024x512xf32, #tpu.memory_space<hbm>> -> memref<1x32x512xf32, #tpu.memory_space<hbm>>
        %dma_wait3A_830 = tpu.memref_squeeze %dma_wait3A_829 : memref<1x32x512xf32, #tpu.memory_space<hbm>> -> memref<32x512xf32, #tpu.memory_space<hbm>>
        %dma_wait3A_831 = arith.constant 0 : i32
        %dma_wait3A_832 = arith.constant 0 : i32
        %dma_wait3A_833 = tpu.memref_slice %arg6[%dma_wait3A_820, %dma_wait3A_831, %dma_wait3A_832] : memref<5x32x512xf32, #tpu.memory_space<vmem>> -> memref<1x32x512xf32, #tpu.memory_space<vmem>>
        %dma_wait3A_834 = tpu.memref_squeeze %dma_wait3A_833 : memref<1x32x512xf32, #tpu.memory_space<vmem>> -> memref<32x512xf32, #tpu.memory_space<vmem>>
        tpu.wait_dma2 semaphore(%arg12 : memref<!tpu.dma_semaphore, #tpu.memory_space<semaphore_mem>>) src(%dma_wait3A_834 : memref<32x512xf32, #tpu.memory_space<vmem>>) dst(%dma_wait3A_830 : memref<32x512xf32, #tpu.memory_space<hbm>>)
      } else {
      }
      %add3A_608 = arith.constant 2 : i32
      %add3A_609 = arith.addi %add3A_593, %add3A_608 : i32
      %lt3A_610 = arith.constant 50 : i32
      %lt3A_611 = arith.cmpi slt, %add3A_609, %lt3A_610 : i32
      %convert_element_type3A_612 = arith.extui %lt3A_611 : i1 to i32
      %cond3A_613 = arith.constant 0 : i32
      %cond3A_614 = arith.cmpi ne, %convert_element_type3A_612, %cond3A_613 : i32
      scf.if %cond3A_614 {
        %add3A_776 = arith.constant 2 : i32
        %add3A_777 = arith.addi %add3A_593, %add3A_776 : i32
        %mul3A_778 = arith.constant 32 : i32
        %mul3A_779 = arith.muli %add3A_777, %mul3A_778 : i32
        %dma_start3A_780 = arith.constant 0 : i32
        %dma_start3A_781 = arith.constant 0 : i32
        %dma_start3A_782 = arith.constant 0 : i32
        %dma_start3A_783 = tpu.memref_slice %arg6[%dma_start3A_780, %dma_start3A_781, %dma_start3A_782] : memref<5x32x512xf32, #tpu.memory_space<vmem>> -> memref<1x32x512xf32, #tpu.memory_space<vmem>>
        %dma_start3A_784 = tpu.memref_squeeze %dma_start3A_783 : memref<1x32x512xf32, #tpu.memory_space<vmem>> -> memref<32x512xf32, #tpu.memory_space<vmem>>
        %dma_start3A_785 = tpu.memref_slice %arg5[%mul3A_779] : memref<1600xi32, #tpu.memory_space<vmem>> -> memref<32xi32, #tpu.memory_space<vmem>>
        %dma_start3A_786 = arith.constant 0 : i32
        %dma_start3A_787 = arith.constant 0 : i32
        %dma_start3A_788 = tpu.memref_slice %arg2[%dma_start3A_786, %dma_start3A_787] : memref<1000x512xf32, #tpu.memory_space<hbm>> -> memref<1000x512xf32, #tpu.memory_space<hbm>>
        tpu.enqueue_indirect_dma source(%dma_start3A_788 : memref<1000x512xf32, #tpu.memory_space<hbm>>) target(%dma_start3A_784 : memref<32x512xf32, #tpu.memory_space<vmem>>) offsets(%dma_start3A_785 : memref<32xi32, #tpu.memory_space<vmem>>) semaphore(%arg7 : memref<!tpu.dma_semaphore, #tpu.memory_space<semaphore_mem>>)
      } else {
      }
      %dma_wait3A_615 = arith.constant 3 : i32
      %dma_wait3A_616 = arith.constant 0 : i32
      %dma_wait3A_617 = arith.constant 0 : i32
      %dma_wait3A_618 = tpu.memref_slice %arg6[%dma_wait3A_615, %dma_wait3A_616, %dma_wait3A_617] : memref<5x32x512xf32, #tpu.memory_space<vmem>> -> memref<1x32x512xf32, #tpu.memory_space<vmem>>
      %dma_wait3A_619 = tpu.memref_squeeze %dma_wait3A_618 : memref<1x32x512xf32, #tpu.memory_space<vmem>> -> memref<32x512xf32, #tpu.memory_space<vmem>>
      %dma_wait3A_620 = arith.constant 0 : i32
      %dma_wait3A_621 = tpu.memref_slice %arg5[%dma_wait3A_620] : memref<1600xi32, #tpu.memory_space<vmem>> -> memref<32xi32, #tpu.memory_space<vmem>>
      %dma_wait3A_622 = arith.constant 0 : i32
      %dma_wait3A_623 = arith.constant 0 : i32
      %dma_wait3A_624 = tpu.memref_slice %arg2[%dma_wait3A_622, %dma_wait3A_623] : memref<1000x512xf32, #tpu.memory_space<hbm>> -> memref<1000x512xf32, #tpu.memory_space<hbm>>
      tpu.wait_indirect_dma semaphore(%arg10 : memref<!tpu.dma_semaphore, #tpu.memory_space<semaphore_mem>>) src(%dma_wait3A_624 : memref<1000x512xf32, #tpu.memory_space<hbm>>) dst(%dma_wait3A_619 : memref<32x512xf32, #tpu.memory_space<vmem>>)
      %add3A_625 = arith.addi %mul3A_2, %add3A_593 : i32
      %jit3A_626 = arith.constant 32 : i32
      %div3A_627 = arith.divsi %add3A_625, %jit3A_626 : i32
      %sign3A_628 = arith.constant 0 : i32
      %sign3A_629 = arith.cmpi sgt, %add3A_625, %sign3A_628 : i32
      %sign3A_630 = arith.extui %sign3A_629 : i1 to i32
      %sign3A_631 = arith.constant 0 : i32
      %sign3A_632 = arith.cmpi slt, %add3A_625, %sign3A_631 : i32
      %sign3A_633 = arith.extui %sign3A_632 : i1 to i32
      %sign3A_634 = arith.subi %sign3A_630, %sign3A_633 : i32
      %sign3A_635 = arith.constant 0 : i32
      %sign3A_636 = arith.cmpi sgt, %jit3A_626, %sign3A_635 : i32
      %sign3A_637 = arith.extui %sign3A_636 : i1 to i32
      %sign3A_638 = arith.constant 0 : i32
      %sign3A_639 = arith.cmpi slt, %jit3A_626, %sign3A_638 : i32
      %sign3A_640 = arith.extui %sign3A_639 : i1 to i32
      %sign3A_641 = arith.subi %sign3A_637, %sign3A_640 : i32
      %ne3A_642 = arith.cmpi ne, %sign3A_634, %sign3A_641 : i32
      %rem3A_643 = arith.remsi %add3A_625, %jit3A_626 : i32
      %ne3A_644 = arith.constant 0 : i32
      %ne3A_645 = arith.cmpi ne, %rem3A_643, %ne3A_644 : i32
      %and3A_646 = arith.andi %ne3A_642, %ne3A_645 : i1
      %sub3A_647 = arith.constant 1 : i32
      %sub3A_648 = arith.subi %div3A_627, %sub3A_647 : i32
      %select_n3A_649 = arith.select %and3A_646, %sub3A_648, %div3A_627 : i32
      %jit3A_650 = arith.constant 32 : i32
      %eq3A_651 = arith.constant 0 : i32
      %eq3A_652 = arith.cmpi eq, %jit3A_650, %eq3A_651 : i32
      %jit3A_653 = arith.constant 1 : i32
      %select_n3A_654 = arith.select %eq3A_652, %jit3A_653, %jit3A_650 : i32
      %rem3A_655 = arith.remsi %add3A_625, %select_n3A_654 : i32
      %ne3A_656 = arith.constant 0 : i32
      %ne3A_657 = arith.cmpi ne, %rem3A_655, %ne3A_656 : i32
      %lt3A_658 = arith.constant 0 : i32
      %lt3A_659 = arith.cmpi slt, %rem3A_655, %lt3A_658 : i32
      %lt3A_660 = arith.constant 0 : i32
      %lt3A_661 = arith.cmpi slt, %select_n3A_654, %lt3A_660 : i32
      %ne3A_662 = arith.xori %lt3A_659, %lt3A_661 : i1
      %and3A_663 = arith.andi %ne3A_662, %ne3A_657 : i1
      %add3A_664 = arith.addi %rem3A_655, %select_n3A_654 : i32
      %select_n3A_665 = arith.select %and3A_663, %add3A_664, %rem3A_655 : i32
      %mul3A_666 = arith.constant 32 : i32
      %mul3A_667 = arith.muli %select_n3A_665, %mul3A_666 : i32
      %dma_start3A_668 = arith.constant 3 : i32
      %dma_start3A_669 = arith.constant 0 : i32
      %dma_start3A_670 = arith.constant 0 : i32
      %dma_start3A_671 = tpu.memref_slice %arg6[%dma_start3A_668, %dma_start3A_669, %dma_start3A_670] : memref<5x32x512xf32, #tpu.memory_space<vmem>> -> memref<1x32x512xf32, #tpu.memory_space<vmem>>
      %dma_start3A_672 = tpu.memref_squeeze %dma_start3A_671 : memref<1x32x512xf32, #tpu.memory_space<vmem>> -> memref<32x512xf32, #tpu.memory_space<vmem>>
      %dma_start3A_673 = arith.constant 0 : i32
      %dma_start3A_674 = tpu.memref_slice %arg4[%select_n3A_649, %mul3A_667, %dma_start3A_673] : memref<50x1024x512xf32, #tpu.memory_space<hbm>> -> memref<1x32x512xf32, #tpu.memory_space<hbm>>
      %dma_start3A_675 = tpu.memref_squeeze %dma_start3A_674 : memref<1x32x512xf32, #tpu.memory_space<hbm>> -> memref<32x512xf32, #tpu.memory_space<hbm>>
      %dma_start3A_676 = arith.constant 0 : i32
      %dma_start3A_677 = tpu.memref_slice %arg4[%select_n3A_649, %mul3A_667, %dma_start3A_676] : memref<50x1024x512xf32, #tpu.memory_space<hbm>> -> memref<1x32x512xf32, #tpu.memory_space<hbm>>
      %dma_start3A_678 = tpu.memref_squeeze %dma_start3A_677 : memref<1x32x512xf32, #tpu.memory_space<hbm>> -> memref<32x512xf32, #tpu.memory_space<hbm>>
      %dma_start3A_679 = arith.constant 0 : i32
      %dma_start3A_680 = arith.constant 0 : i32
      %dma_start3A_681 = tpu.memref_slice %arg6[%dma_start3A_668, %dma_start3A_679, %dma_start3A_680] : memref<5x32x512xf32, #tpu.memory_space<vmem>> -> memref<1x32x512xf32, #tpu.memory_space<vmem>>
      %dma_start3A_682 = tpu.memref_squeeze %dma_start3A_681 : memref<1x32x512xf32, #tpu.memory_space<vmem>> -> memref<32x512xf32, #tpu.memory_space<vmem>>
      tpu.enqueue_dma source(%dma_start3A_682 : memref<32x512xf32, #tpu.memory_space<vmem>>) target(%dma_start3A_678 : memref<32x512xf32, #tpu.memory_space<hbm>>) target_semaphore(%arg15 : memref<!tpu.dma_semaphore, #tpu.memory_space<semaphore_mem>>)
      %mul3A_683 = arith.constant 5 : i32
      %mul3A_684 = arith.muli %scan3A_313, %mul3A_683 : i32
      %add3A_685 = arith.constant 4 : i32
      %add3A_686 = arith.addi %mul3A_684, %add3A_685 : i32
      %add3A_687 = arith.constant 2 : i32
      %add3A_688 = arith.addi %add3A_686, %add3A_687 : i32
      %lt3A_689 = arith.constant 50 : i32
      %lt3A_690 = arith.cmpi slt, %add3A_688, %lt3A_689 : i32
      %add3A_691 = arith.constant 2 : i32
      %add3A_692 = arith.addi %add3A_686, %add3A_691 : i32
      %sub3A_693 = arith.constant 5 : i32
      %sub3A_694 = arith.subi %add3A_692, %sub3A_693 : i32
      %ge3A_695 = arith.constant 0 : i32
      %ge3A_696 = arith.cmpi sge, %sub3A_694, %ge3A_695 : i32
      %and3A_697 = arith.andi %lt3A_690, %ge3A_696 : i1
      %convert_element_type3A_698 = arith.extui %and3A_697 : i1 to i32
      %cond3A_699 = arith.constant 0 : i32
      %cond3A_700 = arith.cmpi ne, %convert_element_type3A_698, %cond3A_699 : i32
      scf.if %cond3A_700 {
        %add3A_776 = arith.constant 0 : i32
        %add3A_777 = arith.addi %mul3A_2, %add3A_776 : i32
        %jit3A_778 = arith.constant 32 : i32
        %div3A_779 = arith.divsi %add3A_777, %jit3A_778 : i32
        %sign3A_780 = arith.constant 0 : i32
        %sign3A_781 = arith.cmpi sgt, %add3A_777, %sign3A_780 : i32
        %sign3A_782 = arith.extui %sign3A_781 : i1 to i32
        %sign3A_783 = arith.constant 0 : i32
        %sign3A_784 = arith.cmpi slt, %add3A_777, %sign3A_783 : i32
        %sign3A_785 = arith.extui %sign3A_784 : i1 to i32
        %sign3A_786 = arith.subi %sign3A_782, %sign3A_785 : i32
        %sign3A_787 = arith.constant 0 : i32
        %sign3A_788 = arith.cmpi sgt, %jit3A_778, %sign3A_787 : i32
        %sign3A_789 = arith.extui %sign3A_788 : i1 to i32
        %sign3A_790 = arith.constant 0 : i32
        %sign3A_791 = arith.cmpi slt, %jit3A_778, %sign3A_790 : i32
        %sign3A_792 = arith.extui %sign3A_791 : i1 to i32
        %sign3A_793 = arith.subi %sign3A_789, %sign3A_792 : i32
        %ne3A_794 = arith.cmpi ne, %sign3A_786, %sign3A_793 : i32
        %rem3A_795 = arith.remsi %add3A_777, %jit3A_778 : i32
        %ne3A_796 = arith.constant 0 : i32
        %ne3A_797 = arith.cmpi ne, %rem3A_795, %ne3A_796 : i32
        %and3A_798 = arith.andi %ne3A_794, %ne3A_797 : i1
        %sub3A_799 = arith.constant 1 : i32
        %sub3A_800 = arith.subi %div3A_779, %sub3A_799 : i32
        %select_n3A_801 = arith.select %and3A_798, %sub3A_800, %div3A_779 : i32
        %jit3A_802 = arith.constant 32 : i32
        %eq3A_803 = arith.constant 0 : i32
        %eq3A_804 = arith.cmpi eq, %jit3A_802, %eq3A_803 : i32
        %jit3A_805 = arith.constant 1 : i32
        %select_n3A_806 = arith.select %eq3A_804, %jit3A_805, %jit3A_802 : i32
        %rem3A_807 = arith.remsi %add3A_777, %select_n3A_806 : i32
        %ne3A_808 = arith.constant 0 : i32
        %ne3A_809 = arith.cmpi ne, %rem3A_807, %ne3A_808 : i32
        %lt3A_810 = arith.constant 0 : i32
        %lt3A_811 = arith.cmpi slt, %rem3A_807, %lt3A_810 : i32
        %lt3A_812 = arith.constant 0 : i32
        %lt3A_813 = arith.cmpi slt, %select_n3A_806, %lt3A_812 : i32
        %ne3A_814 = arith.xori %lt3A_811, %lt3A_813 : i1
        %and3A_815 = arith.andi %ne3A_814, %ne3A_809 : i1
        %add3A_816 = arith.addi %rem3A_807, %select_n3A_806 : i32
        %select_n3A_817 = arith.select %and3A_815, %add3A_816, %rem3A_807 : i32
        %mul3A_818 = arith.constant 32 : i32
        %mul3A_819 = arith.muli %select_n3A_817, %mul3A_818 : i32
        %dma_wait3A_820 = arith.constant 1 : i32
        %dma_wait3A_821 = arith.constant 0 : i32
        %dma_wait3A_822 = arith.constant 0 : i32
        %dma_wait3A_823 = tpu.memref_slice %arg6[%dma_wait3A_820, %dma_wait3A_821, %dma_wait3A_822] : memref<5x32x512xf32, #tpu.memory_space<vmem>> -> memref<1x32x512xf32, #tpu.memory_space<vmem>>
        %dma_wait3A_824 = tpu.memref_squeeze %dma_wait3A_823 : memref<1x32x512xf32, #tpu.memory_space<vmem>> -> memref<32x512xf32, #tpu.memory_space<vmem>>
        %dma_wait3A_825 = arith.constant 0 : i32
        %dma_wait3A_826 = tpu.memref_slice %arg4[%select_n3A_801, %mul3A_819, %dma_wait3A_825] : memref<50x1024x512xf32, #tpu.memory_space<hbm>> -> memref<1x32x512xf32, #tpu.memory_space<hbm>>
        %dma_wait3A_827 = tpu.memref_squeeze %dma_wait3A_826 : memref<1x32x512xf32, #tpu.memory_space<hbm>> -> memref<32x512xf32, #tpu.memory_space<hbm>>
        %dma_wait3A_828 = arith.constant 0 : i32
        %dma_wait3A_829 = tpu.memref_slice %arg4[%select_n3A_801, %mul3A_819, %dma_wait3A_828] : memref<50x1024x512xf32, #tpu.memory_space<hbm>> -> memref<1x32x512xf32, #tpu.memory_space<hbm>>
        %dma_wait3A_830 = tpu.memref_squeeze %dma_wait3A_829 : memref<1x32x512xf32, #tpu.memory_space<hbm>> -> memref<32x512xf32, #tpu.memory_space<hbm>>
        %dma_wait3A_831 = arith.constant 0 : i32
        %dma_wait3A_832 = arith.constant 0 : i32
        %dma_wait3A_833 = tpu.memref_slice %arg6[%dma_wait3A_820, %dma_wait3A_831, %dma_wait3A_832] : memref<5x32x512xf32, #tpu.memory_space<vmem>> -> memref<1x32x512xf32, #tpu.memory_space<vmem>>
        %dma_wait3A_834 = tpu.memref_squeeze %dma_wait3A_833 : memref<1x32x512xf32, #tpu.memory_space<vmem>> -> memref<32x512xf32, #tpu.memory_space<vmem>>
        tpu.wait_dma2 semaphore(%arg13 : memref<!tpu.dma_semaphore, #tpu.memory_space<semaphore_mem>>) src(%dma_wait3A_834 : memref<32x512xf32, #tpu.memory_space<vmem>>) dst(%dma_wait3A_830 : memref<32x512xf32, #tpu.memory_space<hbm>>)
      } else {
      }
      %add3A_701 = arith.constant 2 : i32
      %add3A_702 = arith.addi %add3A_686, %add3A_701 : i32
      %lt3A_703 = arith.constant 50 : i32
      %lt3A_704 = arith.cmpi slt, %add3A_702, %lt3A_703 : i32
      %convert_element_type3A_705 = arith.extui %lt3A_704 : i1 to i32
      %cond3A_706 = arith.constant 0 : i32
      %cond3A_707 = arith.cmpi ne, %convert_element_type3A_705, %cond3A_706 : i32
      scf.if %cond3A_707 {
        %add3A_776 = arith.constant 2 : i32
        %add3A_777 = arith.addi %add3A_686, %add3A_776 : i32
        %mul3A_778 = arith.constant 32 : i32
        %mul3A_779 = arith.muli %add3A_777, %mul3A_778 : i32
        %dma_start3A_780 = arith.constant 1 : i32
        %dma_start3A_781 = arith.constant 0 : i32
        %dma_start3A_782 = arith.constant 0 : i32
        %dma_start3A_783 = tpu.memref_slice %arg6[%dma_start3A_780, %dma_start3A_781, %dma_start3A_782] : memref<5x32x512xf32, #tpu.memory_space<vmem>> -> memref<1x32x512xf32, #tpu.memory_space<vmem>>
        %dma_start3A_784 = tpu.memref_squeeze %dma_start3A_783 : memref<1x32x512xf32, #tpu.memory_space<vmem>> -> memref<32x512xf32, #tpu.memory_space<vmem>>
        %dma_start3A_785 = tpu.memref_slice %arg5[%mul3A_779] : memref<1600xi32, #tpu.memory_space<vmem>> -> memref<32xi32, #tpu.memory_space<vmem>>
        %dma_start3A_786 = arith.constant 0 : i32
        %dma_start3A_787 = arith.constant 0 : i32
        %dma_start3A_788 = tpu.memref_slice %arg2[%dma_start3A_786, %dma_start3A_787] : memref<1000x512xf32, #tpu.memory_space<hbm>> -> memref<1000x512xf32, #tpu.memory_space<hbm>>
        tpu.enqueue_indirect_dma source(%dma_start3A_788 : memref<1000x512xf32, #tpu.memory_space<hbm>>) target(%dma_start3A_784 : memref<32x512xf32, #tpu.memory_space<vmem>>) offsets(%dma_start3A_785 : memref<32xi32, #tpu.memory_space<vmem>>) semaphore(%arg8 : memref<!tpu.dma_semaphore, #tpu.memory_space<semaphore_mem>>)
      } else {
      }
      %dma_wait3A_708 = arith.constant 4 : i32
      %dma_wait3A_709 = arith.constant 0 : i32
      %dma_wait3A_710 = arith.constant 0 : i32
      %dma_wait3A_711 = tpu.memref_slice %arg6[%dma_wait3A_708, %dma_wait3A_709, %dma_wait3A_710] : memref<5x32x512xf32, #tpu.memory_space<vmem>> -> memref<1x32x512xf32, #tpu.memory_space<vmem>>
      %dma_wait3A_712 = tpu.memref_squeeze %dma_wait3A_711 : memref<1x32x512xf32, #tpu.memory_space<vmem>> -> memref<32x512xf32, #tpu.memory_space<vmem>>
      %dma_wait3A_713 = arith.constant 0 : i32
      %dma_wait3A_714 = tpu.memref_slice %arg5[%dma_wait3A_713] : memref<1600xi32, #tpu.memory_space<vmem>> -> memref<32xi32, #tpu.memory_space<vmem>>
      %dma_wait3A_715 = arith.constant 0 : i32
      %dma_wait3A_716 = arith.constant 0 : i32
      %dma_wait3A_717 = tpu.memref_slice %arg2[%dma_wait3A_715, %dma_wait3A_716] : memref<1000x512xf32, #tpu.memory_space<hbm>> -> memref<1000x512xf32, #tpu.memory_space<hbm>>
      tpu.wait_indirect_dma semaphore(%arg11 : memref<!tpu.dma_semaphore, #tpu.memory_space<semaphore_mem>>) src(%dma_wait3A_717 : memref<1000x512xf32, #tpu.memory_space<hbm>>) dst(%dma_wait3A_712 : memref<32x512xf32, #tpu.memory_space<vmem>>)
      %add3A_718 = arith.addi %mul3A_2, %add3A_686 : i32
      %jit3A_719 = arith.constant 32 : i32
      %div3A_720 = arith.divsi %add3A_718, %jit3A_719 : i32
      %sign3A_721 = arith.constant 0 : i32
      %sign3A_722 = arith.cmpi sgt, %add3A_718, %sign3A_721 : i32
      %sign3A_723 = arith.extui %sign3A_722 : i1 to i32
      %sign3A_724 = arith.constant 0 : i32
      %sign3A_725 = arith.cmpi slt, %add3A_718, %sign3A_724 : i32
      %sign3A_726 = arith.extui %sign3A_725 : i1 to i32
      %sign3A_727 = arith.subi %sign3A_723, %sign3A_726 : i32
      %sign3A_728 = arith.constant 0 : i32
      %sign3A_729 = arith.cmpi sgt, %jit3A_719, %sign3A_728 : i32
      %sign3A_730 = arith.extui %sign3A_729 : i1 to i32
      %sign3A_731 = arith.constant 0 : i32
      %sign3A_732 = arith.cmpi slt, %jit3A_719, %sign3A_731 : i32
      %sign3A_733 = arith.extui %sign3A_732 : i1 to i32
      %sign3A_734 = arith.subi %sign3A_730, %sign3A_733 : i32
      %ne3A_735 = arith.cmpi ne, %sign3A_727, %sign3A_734 : i32
      %rem3A_736 = arith.remsi %add3A_718, %jit3A_719 : i32
      %ne3A_737 = arith.constant 0 : i32
      %ne3A_738 = arith.cmpi ne, %rem3A_736, %ne3A_737 : i32
      %and3A_739 = arith.andi %ne3A_735, %ne3A_738 : i1
      %sub3A_740 = arith.constant 1 : i32
      %sub3A_741 = arith.subi %div3A_720, %sub3A_740 : i32
      %select_n3A_742 = arith.select %and3A_739, %sub3A_741, %div3A_720 : i32
      %jit3A_743 = arith.constant 32 : i32
      %eq3A_744 = arith.constant 0 : i32
      %eq3A_745 = arith.cmpi eq, %jit3A_743, %eq3A_744 : i32
      %jit3A_746 = arith.constant 1 : i32
      %select_n3A_747 = arith.select %eq3A_745, %jit3A_746, %jit3A_743 : i32
      %rem3A_748 = arith.remsi %add3A_718, %select_n3A_747 : i32
      %ne3A_749 = arith.constant 0 : i32
      %ne3A_750 = arith.cmpi ne, %rem3A_748, %ne3A_749 : i32
      %lt3A_751 = arith.constant 0 : i32
      %lt3A_752 = arith.cmpi slt, %rem3A_748, %lt3A_751 : i32
      %lt3A_753 = arith.constant 0 : i32
      %lt3A_754 = arith.cmpi slt, %select_n3A_747, %lt3A_753 : i32
      %ne3A_755 = arith.xori %lt3A_752, %lt3A_754 : i1
      %and3A_756 = arith.andi %ne3A_755, %ne3A_750 : i1
      %add3A_757 = arith.addi %rem3A_748, %select_n3A_747 : i32
      %select_n3A_758 = arith.select %and3A_756, %add3A_757, %rem3A_748 : i32
      %mul3A_759 = arith.constant 32 : i32
      %mul3A_760 = arith.muli %select_n3A_758, %mul3A_759 : i32
      %dma_start3A_761 = arith.constant 4 : i32
      %dma_start3A_762 = arith.constant 0 : i32
      %dma_start3A_763 = arith.constant 0 : i32
      %dma_start3A_764 = tpu.memref_slice %arg6[%dma_start3A_761, %dma_start3A_762, %dma_start3A_763] : memref<5x32x512xf32, #tpu.memory_space<vmem>> -> memref<1x32x512xf32, #tpu.memory_space<vmem>>
      %dma_start3A_765 = tpu.memref_squeeze %dma_start3A_764 : memref<1x32x512xf32, #tpu.memory_space<vmem>> -> memref<32x512xf32, #tpu.memory_space<vmem>>
      %dma_start3A_766 = arith.constant 0 : i32
      %dma_start3A_767 = tpu.memref_slice %arg4[%select_n3A_742, %mul3A_760, %dma_start3A_766] : memref<50x1024x512xf32, #tpu.memory_space<hbm>> -> memref<1x32x512xf32, #tpu.memory_space<hbm>>
      %dma_start3A_768 = tpu.memref_squeeze %dma_start3A_767 : memref<1x32x512xf32, #tpu.memory_space<hbm>> -> memref<32x512xf32, #tpu.memory_space<hbm>>
      %dma_start3A_769 = arith.constant 0 : i32
      %dma_start3A_770 = tpu.memref_slice %arg4[%select_n3A_742, %mul3A_760, %dma_start3A_769] : memref<50x1024x512xf32, #tpu.memory_space<hbm>> -> memref<1x32x512xf32, #tpu.memory_space<hbm>>
      %dma_start3A_771 = tpu.memref_squeeze %dma_start3A_770 : memref<1x32x512xf32, #tpu.memory_space<hbm>> -> memref<32x512xf32, #tpu.memory_space<hbm>>
      %dma_start3A_772 = arith.constant 0 : i32
      %dma_start3A_773 = arith.constant 0 : i32
      %dma_start3A_774 = tpu.memref_slice %arg6[%dma_start3A_761, %dma_start3A_772, %dma_start3A_773] : memref<5x32x512xf32, #tpu.memory_space<vmem>> -> memref<1x32x512xf32, #tpu.memory_space<vmem>>
      %dma_start3A_775 = tpu.memref_squeeze %dma_start3A_774 : memref<1x32x512xf32, #tpu.memory_space<vmem>> -> memref<32x512xf32, #tpu.memory_space<vmem>>
      tpu.enqueue_dma source(%dma_start3A_775 : memref<32x512xf32, #tpu.memory_space<vmem>>) target(%dma_start3A_771 : memref<32x512xf32, #tpu.memory_space<hbm>>) target_semaphore(%arg16 : memref<!tpu.dma_semaphore, #tpu.memory_space<semaphore_mem>>)
    }
    %scan3A_28 = arith.constant 10 : i32
    %add3A_29 = arith.constant 0 : i32
    %add3A_30 = arith.addi %mul3A_2, %add3A_29 : i32
    %jit3A = arith.constant 32 : i32
    %div3A = arith.divsi %add3A_30, %jit3A : i32
    %sign3A = arith.constant 0 : i32
    %sign3A_31 = arith.cmpi sgt, %add3A_30, %sign3A : i32
    %sign3A_32 = arith.extui %sign3A_31 : i1 to i32
    %sign3A_33 = arith.constant 0 : i32
    %sign3A_34 = arith.cmpi slt, %add3A_30, %sign3A_33 : i32
    %sign3A_35 = arith.extui %sign3A_34 : i1 to i32
    %sign3A_36 = arith.subi %sign3A_32, %sign3A_35 : i32
    %sign3A_37 = arith.constant 0 : i32
    %sign3A_38 = arith.cmpi sgt, %jit3A, %sign3A_37 : i32
    %sign3A_39 = arith.extui %sign3A_38 : i1 to i32
    %sign3A_40 = arith.constant 0 : i32
    %sign3A_41 = arith.cmpi slt, %jit3A, %sign3A_40 : i32
    %sign3A_42 = arith.extui %sign3A_41 : i1 to i32
    %sign3A_43 = arith.subi %sign3A_39, %sign3A_42 : i32
    %ne3A = arith.cmpi ne, %sign3A_36, %sign3A_43 : i32
    %rem3A = arith.remsi %add3A_30, %jit3A : i32
    %ne3A_44 = arith.constant 0 : i32
    %ne3A_45 = arith.cmpi ne, %rem3A, %ne3A_44 : i32
    %and3A = arith.andi %ne3A, %ne3A_45 : i1
    %sub3A = arith.constant 1 : i32
    %sub3A_46 = arith.subi %div3A, %sub3A : i32
    %select_n3A = arith.select %and3A, %sub3A_46, %div3A : i32
    %jit3A_47 = arith.constant 32 : i32
    %eq3A = arith.constant 0 : i32
    %eq3A_48 = arith.cmpi eq, %jit3A_47, %eq3A : i32
    %jit3A_49 = arith.constant 1 : i32
    %select_n3A_50 = arith.select %eq3A_48, %jit3A_49, %jit3A_47 : i32
    %rem3A_51 = arith.remsi %add3A_30, %select_n3A_50 : i32
    %ne3A_52 = arith.constant 0 : i32
    %ne3A_53 = arith.cmpi ne, %rem3A_51, %ne3A_52 : i32
    %lt3A = arith.constant 0 : i32
    %lt3A_54 = arith.cmpi slt, %rem3A_51, %lt3A : i32
    %lt3A_55 = arith.constant 0 : i32
    %lt3A_56 = arith.cmpi slt, %select_n3A_50, %lt3A_55 : i32
    %ne3A_57 = arith.xori %lt3A_54, %lt3A_56 : i1
    %and3A_58 = arith.andi %ne3A_57, %ne3A_53 : i1
    %add3A_59 = arith.addi %rem3A_51, %select_n3A_50 : i32
    %select_n3A_60 = arith.select %and3A_58, %add3A_59, %rem3A_51 : i32
    %mul3A_61 = arith.constant 32 : i32
    %mul3A_62 = arith.muli %select_n3A_60, %mul3A_61 : i32
    %dma_wait3A = arith.constant 0 : i32
    %dma_wait3A_63 = arith.constant 0 : i32
    %dma_wait3A_64 = arith.constant 0 : i32
    %dma_wait3A_65 = tpu.memref_slice %arg6[%dma_wait3A, %dma_wait3A_63, %dma_wait3A_64] : memref<5x32x512xf32, #tpu.memory_space<vmem>> -> memref<1x32x512xf32, #tpu.memory_space<vmem>>
    %dma_wait3A_66 = tpu.memref_squeeze %dma_wait3A_65 : memref<1x32x512xf32, #tpu.memory_space<vmem>> -> memref<32x512xf32, #tpu.memory_space<vmem>>
    %dma_wait3A_67 = arith.constant 0 : i32
    %dma_wait3A_68 = tpu.memref_slice %arg4[%select_n3A, %mul3A_62, %dma_wait3A_67] : memref<50x1024x512xf32, #tpu.memory_space<hbm>> -> memref<1x32x512xf32, #tpu.memory_space<hbm>>
    %dma_wait3A_69 = tpu.memref_squeeze %dma_wait3A_68 : memref<1x32x512xf32, #tpu.memory_space<hbm>> -> memref<32x512xf32, #tpu.memory_space<hbm>>
    %dma_wait3A_70 = arith.constant 0 : i32
    %dma_wait3A_71 = tpu.memref_slice %arg4[%select_n3A, %mul3A_62, %dma_wait3A_70] : memref<50x1024x512xf32, #tpu.memory_space<hbm>> -> memref<1x32x512xf32, #tpu.memory_space<hbm>>
    %dma_wait3A_72 = tpu.memref_squeeze %dma_wait3A_71 : memref<1x32x512xf32, #tpu.memory_space<hbm>> -> memref<32x512xf32, #tpu.memory_space<hbm>>
    %dma_wait3A_73 = arith.constant 0 : i32
    %dma_wait3A_74 = arith.constant 0 : i32
    %dma_wait3A_75 = tpu.memref_slice %arg6[%dma_wait3A, %dma_wait3A_73, %dma_wait3A_74] : memref<5x32x512xf32, #tpu.memory_space<vmem>> -> memref<1x32x512xf32, #tpu.memory_space<vmem>>
    %dma_wait3A_76 = tpu.memref_squeeze %dma_wait3A_75 : memref<1x32x512xf32, #tpu.memory_space<vmem>> -> memref<32x512xf32, #tpu.memory_space<vmem>>
    tpu.wait_dma2 semaphore(%arg12 : memref<!tpu.dma_semaphore, #tpu.memory_space<semaphore_mem>>) src(%dma_wait3A_76 : memref<32x512xf32, #tpu.memory_space<vmem>>) dst(%dma_wait3A_72 : memref<32x512xf32, #tpu.memory_space<hbm>>)
    %add3A_77 = arith.constant 0 : i32
    %add3A_78 = arith.addi %mul3A_2, %add3A_77 : i32
    %jit3A_79 = arith.constant 32 : i32
    %div3A_80 = arith.divsi %add3A_78, %jit3A_79 : i32
    %sign3A_81 = arith.constant 0 : i32
    %sign3A_82 = arith.cmpi sgt, %add3A_78, %sign3A_81 : i32
    %sign3A_83 = arith.extui %sign3A_82 : i1 to i32
    %sign3A_84 = arith.constant 0 : i32
    %sign3A_85 = arith.cmpi slt, %add3A_78, %sign3A_84 : i32
    %sign3A_86 = arith.extui %sign3A_85 : i1 to i32
    %sign3A_87 = arith.subi %sign3A_83, %sign3A_86 : i32
    %sign3A_88 = arith.constant 0 : i32
    %sign3A_89 = arith.cmpi sgt, %jit3A_79, %sign3A_88 : i32
    %sign3A_90 = arith.extui %sign3A_89 : i1 to i32
    %sign3A_91 = arith.constant 0 : i32
    %sign3A_92 = arith.cmpi slt, %jit3A_79, %sign3A_91 : i32
    %sign3A_93 = arith.extui %sign3A_92 : i1 to i32
    %sign3A_94 = arith.subi %sign3A_90, %sign3A_93 : i32
    %ne3A_95 = arith.cmpi ne, %sign3A_87, %sign3A_94 : i32
    %rem3A_96 = arith.remsi %add3A_78, %jit3A_79 : i32
    %ne3A_97 = arith.constant 0 : i32
    %ne3A_98 = arith.cmpi ne, %rem3A_96, %ne3A_97 : i32
    %and3A_99 = arith.andi %ne3A_95, %ne3A_98 : i1
    %sub3A_100 = arith.constant 1 : i32
    %sub3A_101 = arith.subi %div3A_80, %sub3A_100 : i32
    %select_n3A_102 = arith.select %and3A_99, %sub3A_101, %div3A_80 : i32
    %jit3A_103 = arith.constant 32 : i32
    %eq3A_104 = arith.constant 0 : i32
    %eq3A_105 = arith.cmpi eq, %jit3A_103, %eq3A_104 : i32
    %jit3A_106 = arith.constant 1 : i32
    %select_n3A_107 = arith.select %eq3A_105, %jit3A_106, %jit3A_103 : i32
    %rem3A_108 = arith.remsi %add3A_78, %select_n3A_107 : i32
    %ne3A_109 = arith.constant 0 : i32
    %ne3A_110 = arith.cmpi ne, %rem3A_108, %ne3A_109 : i32
    %lt3A_111 = arith.constant 0 : i32
    %lt3A_112 = arith.cmpi slt, %rem3A_108, %lt3A_111 : i32
    %lt3A_113 = arith.constant 0 : i32
    %lt3A_114 = arith.cmpi slt, %select_n3A_107, %lt3A_113 : i32
    %ne3A_115 = arith.xori %lt3A_112, %lt3A_114 : i1
    %and3A_116 = arith.andi %ne3A_115, %ne3A_110 : i1
    %add3A_117 = arith.addi %rem3A_108, %select_n3A_107 : i32
    %select_n3A_118 = arith.select %and3A_116, %add3A_117, %rem3A_108 : i32
    %mul3A_119 = arith.constant 32 : i32
    %mul3A_120 = arith.muli %select_n3A_118, %mul3A_119 : i32
    %dma_wait3A_121 = arith.constant 1 : i32
    %dma_wait3A_122 = arith.constant 0 : i32
    %dma_wait3A_123 = arith.constant 0 : i32
    %dma_wait3A_124 = tpu.memref_slice %arg6[%dma_wait3A_121, %dma_wait3A_122, %dma_wait3A_123] : memref<5x32x512xf32, #tpu.memory_space<vmem>> -> memref<1x32x512xf32, #tpu.memory_space<vmem>>
    %dma_wait3A_125 = tpu.memref_squeeze %dma_wait3A_124 : memref<1x32x512xf32, #tpu.memory_space<vmem>> -> memref<32x512xf32, #tpu.memory_space<vmem>>
    %dma_wait3A_126 = arith.constant 0 : i32
    %dma_wait3A_127 = tpu.memref_slice %arg4[%select_n3A_102, %mul3A_120, %dma_wait3A_126] : memref<50x1024x512xf32, #tpu.memory_space<hbm>> -> memref<1x32x512xf32, #tpu.memory_space<hbm>>
    %dma_wait3A_128 = tpu.memref_squeeze %dma_wait3A_127 : memref<1x32x512xf32, #tpu.memory_space<hbm>> -> memref<32x512xf32, #tpu.memory_space<hbm>>
    %dma_wait3A_129 = arith.constant 0 : i32
    %dma_wait3A_130 = tpu.memref_slice %arg4[%select_n3A_102, %mul3A_120, %dma_wait3A_129] : memref<50x1024x512xf32, #tpu.memory_space<hbm>> -> memref<1x32x512xf32, #tpu.memory_space<hbm>>
    %dma_wait3A_131 = tpu.memref_squeeze %dma_wait3A_130 : memref<1x32x512xf32, #tpu.memory_space<hbm>> -> memref<32x512xf32, #tpu.memory_space<hbm>>
    %dma_wait3A_132 = arith.constant 0 : i32
    %dma_wait3A_133 = arith.constant 0 : i32
    %dma_wait3A_134 = tpu.memref_slice %arg6[%dma_wait3A_121, %dma_wait3A_132, %dma_wait3A_133] : memref<5x32x512xf32, #tpu.memory_space<vmem>> -> memref<1x32x512xf32, #tpu.memory_space<vmem>>
    %dma_wait3A_135 = tpu.memref_squeeze %dma_wait3A_134 : memref<1x32x512xf32, #tpu.memory_space<vmem>> -> memref<32x512xf32, #tpu.memory_space<vmem>>
    tpu.wait_dma2 semaphore(%arg13 : memref<!tpu.dma_semaphore, #tpu.memory_space<semaphore_mem>>) src(%dma_wait3A_135 : memref<32x512xf32, #tpu.memory_space<vmem>>) dst(%dma_wait3A_131 : memref<32x512xf32, #tpu.memory_space<hbm>>)
    %add3A_136 = arith.constant 0 : i32
    %add3A_137 = arith.addi %mul3A_2, %add3A_136 : i32
    %jit3A_138 = arith.constant 32 : i32
    %div3A_139 = arith.divsi %add3A_137, %jit3A_138 : i32
    %sign3A_140 = arith.constant 0 : i32
    %sign3A_141 = arith.cmpi sgt, %add3A_137, %sign3A_140 : i32
    %sign3A_142 = arith.extui %sign3A_141 : i1 to i32
    %sign3A_143 = arith.constant 0 : i32
    %sign3A_144 = arith.cmpi slt, %add3A_137, %sign3A_143 : i32
    %sign3A_145 = arith.extui %sign3A_144 : i1 to i32
    %sign3A_146 = arith.subi %sign3A_142, %sign3A_145 : i32
    %sign3A_147 = arith.constant 0 : i32
    %sign3A_148 = arith.cmpi sgt, %jit3A_138, %sign3A_147 : i32
    %sign3A_149 = arith.extui %sign3A_148 : i1 to i32
    %sign3A_150 = arith.constant 0 : i32
    %sign3A_151 = arith.cmpi slt, %jit3A_138, %sign3A_150 : i32
    %sign3A_152 = arith.extui %sign3A_151 : i1 to i32
    %sign3A_153 = arith.subi %sign3A_149, %sign3A_152 : i32
    %ne3A_154 = arith.cmpi ne, %sign3A_146, %sign3A_153 : i32
    %rem3A_155 = arith.remsi %add3A_137, %jit3A_138 : i32
    %ne3A_156 = arith.constant 0 : i32
    %ne3A_157 = arith.cmpi ne, %rem3A_155, %ne3A_156 : i32
    %and3A_158 = arith.andi %ne3A_154, %ne3A_157 : i1
    %sub3A_159 = arith.constant 1 : i32
    %sub3A_160 = arith.subi %div3A_139, %sub3A_159 : i32
    %select_n3A_161 = arith.select %and3A_158, %sub3A_160, %div3A_139 : i32
    %jit3A_162 = arith.constant 32 : i32
    %eq3A_163 = arith.constant 0 : i32
    %eq3A_164 = arith.cmpi eq, %jit3A_162, %eq3A_163 : i32
    %jit3A_165 = arith.constant 1 : i32
    %select_n3A_166 = arith.select %eq3A_164, %jit3A_165, %jit3A_162 : i32
    %rem3A_167 = arith.remsi %add3A_137, %select_n3A_166 : i32
    %ne3A_168 = arith.constant 0 : i32
    %ne3A_169 = arith.cmpi ne, %rem3A_167, %ne3A_168 : i32
    %lt3A_170 = arith.constant 0 : i32
    %lt3A_171 = arith.cmpi slt, %rem3A_167, %lt3A_170 : i32
    %lt3A_172 = arith.constant 0 : i32
    %lt3A_173 = arith.cmpi slt, %select_n3A_166, %lt3A_172 : i32
    %ne3A_174 = arith.xori %lt3A_171, %lt3A_173 : i1
    %and3A_175 = arith.andi %ne3A_174, %ne3A_169 : i1
    %add3A_176 = arith.addi %rem3A_167, %select_n3A_166 : i32
    %select_n3A_177 = arith.select %and3A_175, %add3A_176, %rem3A_167 : i32
    %mul3A_178 = arith.constant 32 : i32
    %mul3A_179 = arith.muli %select_n3A_177, %mul3A_178 : i32
    %dma_wait3A_180 = arith.constant 2 : i32
    %dma_wait3A_181 = arith.constant 0 : i32
    %dma_wait3A_182 = arith.constant 0 : i32
    %dma_wait3A_183 = tpu.memref_slice %arg6[%dma_wait3A_180, %dma_wait3A_181, %dma_wait3A_182] : memref<5x32x512xf32, #tpu.memory_space<vmem>> -> memref<1x32x512xf32, #tpu.memory_space<vmem>>
    %dma_wait3A_184 = tpu.memref_squeeze %dma_wait3A_183 : memref<1x32x512xf32, #tpu.memory_space<vmem>> -> memref<32x512xf32, #tpu.memory_space<vmem>>
    %dma_wait3A_185 = arith.constant 0 : i32
    %dma_wait3A_186 = tpu.memref_slice %arg4[%select_n3A_161, %mul3A_179, %dma_wait3A_185] : memref<50x1024x512xf32, #tpu.memory_space<hbm>> -> memref<1x32x512xf32, #tpu.memory_space<hbm>>
    %dma_wait3A_187 = tpu.memref_squeeze %dma_wait3A_186 : memref<1x32x512xf32, #tpu.memory_space<hbm>> -> memref<32x512xf32, #tpu.memory_space<hbm>>
    %dma_wait3A_188 = arith.constant 0 : i32
    %dma_wait3A_189 = tpu.memref_slice %arg4[%select_n3A_161, %mul3A_179, %dma_wait3A_188] : memref<50x1024x512xf32, #tpu.memory_space<hbm>> -> memref<1x32x512xf32, #tpu.memory_space<hbm>>
    %dma_wait3A_190 = tpu.memref_squeeze %dma_wait3A_189 : memref<1x32x512xf32, #tpu.memory_space<hbm>> -> memref<32x512xf32, #tpu.memory_space<hbm>>
    %dma_wait3A_191 = arith.constant 0 : i32
    %dma_wait3A_192 = arith.constant 0 : i32
    %dma_wait3A_193 = tpu.memref_slice %arg6[%dma_wait3A_180, %dma_wait3A_191, %dma_wait3A_192] : memref<5x32x512xf32, #tpu.memory_space<vmem>> -> memref<1x32x512xf32, #tpu.memory_space<vmem>>
    %dma_wait3A_194 = tpu.memref_squeeze %dma_wait3A_193 : memref<1x32x512xf32, #tpu.memory_space<vmem>> -> memref<32x512xf32, #tpu.memory_space<vmem>>
    tpu.wait_dma2 semaphore(%arg14 : memref<!tpu.dma_semaphore, #tpu.memory_space<semaphore_mem>>) src(%dma_wait3A_194 : memref<32x512xf32, #tpu.memory_space<vmem>>) dst(%dma_wait3A_190 : memref<32x512xf32, #tpu.memory_space<hbm>>)
    %add3A_195 = arith.constant 0 : i32
    %add3A_196 = arith.addi %mul3A_2, %add3A_195 : i32
    %jit3A_197 = arith.constant 32 : i32
    %div3A_198 = arith.divsi %add3A_196, %jit3A_197 : i32
    %sign3A_199 = arith.constant 0 : i32
    %sign3A_200 = arith.cmpi sgt, %add3A_196, %sign3A_199 : i32
    %sign3A_201 = arith.extui %sign3A_200 : i1 to i32
    %sign3A_202 = arith.constant 0 : i32
    %sign3A_203 = arith.cmpi slt, %add3A_196, %sign3A_202 : i32
    %sign3A_204 = arith.extui %sign3A_203 : i1 to i32
    %sign3A_205 = arith.subi %sign3A_201, %sign3A_204 : i32
    %sign3A_206 = arith.constant 0 : i32
    %sign3A_207 = arith.cmpi sgt, %jit3A_197, %sign3A_206 : i32
    %sign3A_208 = arith.extui %sign3A_207 : i1 to i32
    %sign3A_209 = arith.constant 0 : i32
    %sign3A_210 = arith.cmpi slt, %jit3A_197, %sign3A_209 : i32
    %sign3A_211 = arith.extui %sign3A_210 : i1 to i32
    %sign3A_212 = arith.subi %sign3A_208, %sign3A_211 : i32
    %ne3A_213 = arith.cmpi ne, %sign3A_205, %sign3A_212 : i32
    %rem3A_214 = arith.remsi %add3A_196, %jit3A_197 : i32
    %ne3A_215 = arith.constant 0 : i32
    %ne3A_216 = arith.cmpi ne, %rem3A_214, %ne3A_215 : i32
    %and3A_217 = arith.andi %ne3A_213, %ne3A_216 : i1
    %sub3A_218 = arith.constant 1 : i32
    %sub3A_219 = arith.subi %div3A_198, %sub3A_218 : i32
    %select_n3A_220 = arith.select %and3A_217, %sub3A_219, %div3A_198 : i32
    %jit3A_221 = arith.constant 32 : i32
    %eq3A_222 = arith.constant 0 : i32
    %eq3A_223 = arith.cmpi eq, %jit3A_221, %eq3A_222 : i32
    %jit3A_224 = arith.constant 1 : i32
    %select_n3A_225 = arith.select %eq3A_223, %jit3A_224, %jit3A_221 : i32
    %rem3A_226 = arith.remsi %add3A_196, %select_n3A_225 : i32
    %ne3A_227 = arith.constant 0 : i32
    %ne3A_228 = arith.cmpi ne, %rem3A_226, %ne3A_227 : i32
    %lt3A_229 = arith.constant 0 : i32
    %lt3A_230 = arith.cmpi slt, %rem3A_226, %lt3A_229 : i32
    %lt3A_231 = arith.constant 0 : i32
    %lt3A_232 = arith.cmpi slt, %select_n3A_225, %lt3A_231 : i32
    %ne3A_233 = arith.xori %lt3A_230, %lt3A_232 : i1
    %and3A_234 = arith.andi %ne3A_233, %ne3A_228 : i1
    %add3A_235 = arith.addi %rem3A_226, %select_n3A_225 : i32
    %select_n3A_236 = arith.select %and3A_234, %add3A_235, %rem3A_226 : i32
    %mul3A_237 = arith.constant 32 : i32
    %mul3A_238 = arith.muli %select_n3A_236, %mul3A_237 : i32
    %dma_wait3A_239 = arith.constant 3 : i32
    %dma_wait3A_240 = arith.constant 0 : i32
    %dma_wait3A_241 = arith.constant 0 : i32
    %dma_wait3A_242 = tpu.memref_slice %arg6[%dma_wait3A_239, %dma_wait3A_240, %dma_wait3A_241] : memref<5x32x512xf32, #tpu.memory_space<vmem>> -> memref<1x32x512xf32, #tpu.memory_space<vmem>>
    %dma_wait3A_243 = tpu.memref_squeeze %dma_wait3A_242 : memref<1x32x512xf32, #tpu.memory_space<vmem>> -> memref<32x512xf32, #tpu.memory_space<vmem>>
    %dma_wait3A_244 = arith.constant 0 : i32
    %dma_wait3A_245 = tpu.memref_slice %arg4[%select_n3A_220, %mul3A_238, %dma_wait3A_244] : memref<50x1024x512xf32, #tpu.memory_space<hbm>> -> memref<1x32x512xf32, #tpu.memory_space<hbm>>
    %dma_wait3A_246 = tpu.memref_squeeze %dma_wait3A_245 : memref<1x32x512xf32, #tpu.memory_space<hbm>> -> memref<32x512xf32, #tpu.memory_space<hbm>>
    %dma_wait3A_247 = arith.constant 0 : i32
    %dma_wait3A_248 = tpu.memref_slice %arg4[%select_n3A_220, %mul3A_238, %dma_wait3A_247] : memref<50x1024x512xf32, #tpu.memory_space<hbm>> -> memref<1x32x512xf32, #tpu.memory_space<hbm>>
    %dma_wait3A_249 = tpu.memref_squeeze %dma_wait3A_248 : memref<1x32x512xf32, #tpu.memory_space<hbm>> -> memref<32x512xf32, #tpu.memory_space<hbm>>
    %dma_wait3A_250 = arith.constant 0 : i32
    %dma_wait3A_251 = arith.constant 0 : i32
    %dma_wait3A_252 = tpu.memref_slice %arg6[%dma_wait3A_239, %dma_wait3A_250, %dma_wait3A_251] : memref<5x32x512xf32, #tpu.memory_space<vmem>> -> memref<1x32x512xf32, #tpu.memory_space<vmem>>
    %dma_wait3A_253 = tpu.memref_squeeze %dma_wait3A_252 : memref<1x32x512xf32, #tpu.memory_space<vmem>> -> memref<32x512xf32, #tpu.memory_space<vmem>>
    tpu.wait_dma2 semaphore(%arg15 : memref<!tpu.dma_semaphore, #tpu.memory_space<semaphore_mem>>) src(%dma_wait3A_253 : memref<32x512xf32, #tpu.memory_space<vmem>>) dst(%dma_wait3A_249 : memref<32x512xf32, #tpu.memory_space<hbm>>)
    %add3A_254 = arith.constant 0 : i32
    %add3A_255 = arith.addi %mul3A_2, %add3A_254 : i32
    %jit3A_256 = arith.constant 32 : i32
    %div3A_257 = arith.divsi %add3A_255, %jit3A_256 : i32
    %sign3A_258 = arith.constant 0 : i32
    %sign3A_259 = arith.cmpi sgt, %add3A_255, %sign3A_258 : i32
    %sign3A_260 = arith.extui %sign3A_259 : i1 to i32
    %sign3A_261 = arith.constant 0 : i32
    %sign3A_262 = arith.cmpi slt, %add3A_255, %sign3A_261 : i32
    %sign3A_263 = arith.extui %sign3A_262 : i1 to i32
    %sign3A_264 = arith.subi %sign3A_260, %sign3A_263 : i32
    %sign3A_265 = arith.constant 0 : i32
    %sign3A_266 = arith.cmpi sgt, %jit3A_256, %sign3A_265 : i32
    %sign3A_267 = arith.extui %sign3A_266 : i1 to i32
    %sign3A_268 = arith.constant 0 : i32
    %sign3A_269 = arith.cmpi slt, %jit3A_256, %sign3A_268 : i32
    %sign3A_270 = arith.extui %sign3A_269 : i1 to i32
    %sign3A_271 = arith.subi %sign3A_267, %sign3A_270 : i32
    %ne3A_272 = arith.cmpi ne, %sign3A_264, %sign3A_271 : i32
    %rem3A_273 = arith.remsi %add3A_255, %jit3A_256 : i32
    %ne3A_274 = arith.constant 0 : i32
    %ne3A_275 = arith.cmpi ne, %rem3A_273, %ne3A_274 : i32
    %and3A_276 = arith.andi %ne3A_272, %ne3A_275 : i1
    %sub3A_277 = arith.constant 1 : i32
    %sub3A_278 = arith.subi %div3A_257, %sub3A_277 : i32
    %select_n3A_279 = arith.select %and3A_276, %sub3A_278, %div3A_257 : i32
    %jit3A_280 = arith.constant 32 : i32
    %eq3A_281 = arith.constant 0 : i32
    %eq3A_282 = arith.cmpi eq, %jit3A_280, %eq3A_281 : i32
    %jit3A_283 = arith.constant 1 : i32
    %select_n3A_284 = arith.select %eq3A_282, %jit3A_283, %jit3A_280 : i32
    %rem3A_285 = arith.remsi %add3A_255, %select_n3A_284 : i32
    %ne3A_286 = arith.constant 0 : i32
    %ne3A_287 = arith.cmpi ne, %rem3A_285, %ne3A_286 : i32
    %lt3A_288 = arith.constant 0 : i32
    %lt3A_289 = arith.cmpi slt, %rem3A_285, %lt3A_288 : i32
    %lt3A_290 = arith.constant 0 : i32
    %lt3A_291 = arith.cmpi slt, %select_n3A_284, %lt3A_290 : i32
    %ne3A_292 = arith.xori %lt3A_289, %lt3A_291 : i1
    %and3A_293 = arith.andi %ne3A_292, %ne3A_287 : i1
    %add3A_294 = arith.addi %rem3A_285, %select_n3A_284 : i32
    %select_n3A_295 = arith.select %and3A_293, %add3A_294, %rem3A_285 : i32
    %mul3A_296 = arith.constant 32 : i32
    %mul3A_297 = arith.muli %select_n3A_295, %mul3A_296 : i32
    %dma_wait3A_298 = arith.constant 4 : i32
    %dma_wait3A_299 = arith.constant 0 : i32
    %dma_wait3A_300 = arith.constant 0 : i32
    %dma_wait3A_301 = tpu.memref_slice %arg6[%dma_wait3A_298, %dma_wait3A_299, %dma_wait3A_300] : memref<5x32x512xf32, #tpu.memory_space<vmem>> -> memref<1x32x512xf32, #tpu.memory_space<vmem>>
    %dma_wait3A_302 = tpu.memref_squeeze %dma_wait3A_301 : memref<1x32x512xf32, #tpu.memory_space<vmem>> -> memref<32x512xf32, #tpu.memory_space<vmem>>
    %dma_wait3A_303 = arith.constant 0 : i32
    %dma_wait3A_304 = tpu.memref_slice %arg4[%select_n3A_279, %mul3A_297, %dma_wait3A_303] : memref<50x1024x512xf32, #tpu.memory_space<hbm>> -> memref<1x32x512xf32, #tpu.memory_space<hbm>>
    %dma_wait3A_305 = tpu.memref_squeeze %dma_wait3A_304 : memref<1x32x512xf32, #tpu.memory_space<hbm>> -> memref<32x512xf32, #tpu.memory_space<hbm>>
    %dma_wait3A_306 = arith.constant 0 : i32
    %dma_wait3A_307 = tpu.memref_slice %arg4[%select_n3A_279, %mul3A_297, %dma_wait3A_306] : memref<50x1024x512xf32, #tpu.memory_space<hbm>> -> memref<1x32x512xf32, #tpu.memory_space<hbm>>
    %dma_wait3A_308 = tpu.memref_squeeze %dma_wait3A_307 : memref<1x32x512xf32, #tpu.memory_space<hbm>> -> memref<32x512xf32, #tpu.memory_space<hbm>>
    %dma_wait3A_309 = arith.constant 0 : i32
    %dma_wait3A_310 = arith.constant 0 : i32
    %dma_wait3A_311 = tpu.memref_slice %arg6[%dma_wait3A_298, %dma_wait3A_309, %dma_wait3A_310] : memref<5x32x512xf32, #tpu.memory_space<vmem>> -> memref<1x32x512xf32, #tpu.memory_space<vmem>>
    %dma_wait3A_312 = tpu.memref_squeeze %dma_wait3A_311 : memref<1x32x512xf32, #tpu.memory_space<vmem>> -> memref<32x512xf32, #tpu.memory_space<vmem>>
    tpu.wait_dma2 semaphore(%arg16 : memref<!tpu.dma_semaphore, #tpu.memory_space<semaphore_mem>>) src(%dma_wait3A_312 : memref<32x512xf32, #tpu.memory_space<vmem>>) dst(%dma_wait3A_308 : memref<32x512xf32, #tpu.memory_space<hbm>>)
    return
  }
}

module attributes {stable_mosaic.version = 14 : i64} {
  func.func @_fuse_body(%arg0: memref<1000x128xf32, #tpu.memory_space<vmem>>, %arg1: memref<128x512xf32, #tpu.memory_space<vmem>>, %arg2: memref<1x512xf32, #tpu.memory_space<vmem>>, %arg3: memref<1000x512xf32, #tpu.memory_space<vmem>>) attributes {dimension_semantics = [], scalar_prefetch = 0 : i64, scratch_operands = 0 : i64, tpu.core_type = #tpu.core_type<tc>} {
    %get3A = arith.constant 0 : index
    %get3A_0 = arith.constant 0 : index
    %get3A_1 = vector.load %arg0[%get3A, %get3A_0] : memref<1000x128xf32, #tpu.memory_space<vmem>>, vector<1000x128xf32>
    %get3A_2 = arith.constant 0 : index
    %get3A_3 = arith.constant 0 : index
    %get3A_4 = vector.load %arg1[%get3A_2, %get3A_3] : memref<128x512xf32, #tpu.memory_space<vmem>>, vector<128x512xf32>
    %dot_general3A = arith.constant dense<0.000000e+00> : vector<1000x512xf32>
    %dot_general3A_5 = tpu.matmul %get3A_1, %get3A_4, %dot_general3A {dimension_numbers = #tpu.dot_dimension_numbers<[1], [0], [0], [1], [0, 0, 1, 1], [], []>, transpose_lhs_hint = false} : vector<1000x128xf32>, vector<128x512xf32>, vector<1000x512xf32> -> vector<1000x512xf32>
    %get3A_6 = arith.constant 0 : index
    %get3A_7 = arith.constant 0 : index
    %get3A_8 = vector.load %arg2[%get3A_6, %get3A_7] : memref<1x512xf32, #tpu.memory_space<vmem>>, vector<1x512xf32>
    %add3A = vector.broadcast %get3A_8 : vector<1x512xf32> to vector<1000x512xf32>
    %add3A_9 = arith.addf %dot_general3A_5, %add3A : vector<1000x512xf32>
    %swap3A = arith.constant 0 : index
    %swap3A_10 = arith.constant 0 : index
    %swap3A_11 = vector.load %arg3[%swap3A, %swap3A_10] : memref<1000x512xf32, #tpu.memory_space<vmem>>, vector<1000x512xf32>
    tpu.vector_store %arg3[%swap3A, %swap3A_10], %add3A_9 {strides = array<i32>} : memref<1000x512xf32, #tpu.memory_space<vmem>>, vector<1000x512xf32>,
    return
  }
}

</mosaic_0001>

<sc_bundles>
// kernel: kernel.4.cloned.1.call-start
scs
__scs_entry_jumppad:
0x0: {  	(pc) =	sbr.rel $0x88, $3  }
0x1: {  	(tag) =	ssettag $0x0;
	lr =	simm.s32 $0x1  }
0x2: {  	[smem:$0x3F9D] =	sst lr;
	_ =	strace $0xD0000000  }
0x3: {  	_ = 	snop  }
0x4: {  	_ = 	snop  }
0x5: {  	_ = 	snop  }
0x6: {  	_ = 	snop  }
0x7: {  	_ = 	snop  }
__scs_overlays_trampoline_lowered:
0x8: {  	[smem:$0x3FAC] =	sst s0  }
0x9: {  	[smem:$0x3FAD] =	sst s1  }
0xa: {  	[smem:$0x3FAE] =	sst s2  }
0xb: {  	[smem:$0x3FAF] =	sst s3  }
0xc: {  	[smem:$0x3FB0] =	sst s4  }
0xd: {  	[smem:$0x3FB1] =	sst s5  }
0xe: {  	[smem:$0x3FB2] =	sst s6  }
0xf: {  	[smem:$0x3FB3] =	sst s7  }
0x10: {  	[smem:$0x3FB4] =	sst s8  }
0x11: {  	[smem:$0x3FB5] =	sst s9;
	s0 =	simm.s32 @!p0 $0x0  }
0x12: {  	s1 =	sld [smem:$0x3F9B];
	s0 =	simm.s32 @p0 $0x1  }
0x13: {  	[smem:$0x3FB6] =	sst s0;
	s0 =	simm.s32 @!p1 $0x0  }
0x14: {  	s2 =	sld [smem:$0x3F9A];
	s0 =	simm.s32 @p1 $0x1  }
0x15: {  	[smem:$0x3FB7] =	sst s0;
	s0 =	simm.s32 @!p2 $0x0  }
0x16: {  	s3 =	sld [smem:$0x3FDB];
	s0 =	simm.s32 @p2 $0x1  }
0x17: {  	s4 =	simm.s32 $0x1BF5;
	[smem:$0x3FB9] =	sst s0  }
0x18: {  	s0 =	sld [smem:$0x3F9C];
	_ =	swait.ge [sflag:s4], $0x0  }
0x19: {  	s7 =	sld [smem:$0x3F9D]  }
0x1a: {  	s8 =	sadd.s32 $0xFFFFE003, lr  }
0x1b: {  	s9 =	sadd.s32 $0xFFFFFEF7, lr;
	s5 =	simm.s32 $0xFFFFFFFF;
	p2 =	slt.u32 s8, $0xFFFFF086  }
0x1c: {  	p1 =	slt.u32 s9, $0xF7A;
	s5 =	simm.s32 @!p2 $0x0  }
0x1d: {  	s5 =	simm.s32 @p1 $0x1;
	p0 =	seq.s32 s7, s2  }
0x1e: {  	s7 =	smul.u32 @!p0 $0xF7A, s2;
	p2 =	seq.s32 @!p0 s5, $0x0  }
0x1f: {  	s9 =	smul.u32 $0xF7A, s1;
	s8 =	simm.s32 @!p0 $0x1BF5;
	p2 =	por !p2, p0  }
0x20: {  	[sflag:s8] =	ssyncset.s32 @!p0 $0xFFFFF086;
	s6 =	sadd.s32 @!p0 s3, s7;
	s7 =	simm.s32 @!p0 $0x108  }
0x21: {  	s3 =	sadd.s32 s3, s9;
	s6 =	sadd.s32 @!p0 $0x88, s6;
	s7 =	simm.s32 @p2 $0x1082  }
0x22: {  	[simem:s7], [sflag:s8] =	dma.local @!p0 [hbm:s6], $0xF7A  }
0x23: {  	s9 =	sor.u32 $0xD0000000, s2;
	s6 =	simm.s32 $0x108;
	_ =	swait.ge @!p0 [sflag:s8], $0x0  }
0x24: {  	s3 =	sadd.s32 $0x88, s3;
	s6 =	simm.s32 @!p1 $0x1082;
	[sflag:s4] =	ssyncset.s32 $0xFFFFF086  }
0x25: {  	[simem:s6], [sflag:s4] =	dma.local [hbm:s3], $0xF7A  }
0x26: {  	[smem:$0x3F9D] =	sst s1;
	(tag) =	ssettag s2;
	_ =	strace s9  }
0x27: {  	s1 =	sld [smem:$0x3FAD]  }
0x28: {  	s2 =	sld [smem:$0x3FAE]  }
0x29: {  	s4 =	sld [smem:$0x3FB0]  }
0x2a: {  	p0 =	seq.s32 s5, $0x0;
	s5 =	sld [smem:$0x3FB1]  }
0x2b: {  	s6 =	sld [smem:$0x3FB2]  }
0x2c: {  	s7 =	sld [smem:$0x3FB3]  }
0x2d: {  	s3 =	simm.s32 $0x108;
	s8 =	sld [smem:$0x3FB4]  }
0x2e: {  	s3 =	simm.s32 @!p0 $0x1082;
	s9 =	sld [smem:$0x3FB5]  }
0x2f: {  	lr =	sadd.s32 s0, s3;
	s0 =	sld [smem:$0x3FAC]  }
0x30: {  	s3 =	sld [smem:$0x3FAF]  }
0x31: {  	[smem:$0x3FB8] =	sst s10  }
0x32: {  	s10 =	sld [smem:$0x3FB6];
	_ =	sdelay $0x3  }
0x33: {  	p0 =	seq.s32 s10, $0x1;
	s10 =	sld [smem:$0x3FB8];
	_ =	sdelay $0x3  }
0x34: {  	[smem:$0x3FB8] =	sst s10  }
0x35: {  	s10 =	sld [smem:$0x3FB7];
	_ =	sdelay $0x3  }
0x36: {  	p1 =	seq.s32 s10, $0x1;
	s10 =	sld [smem:$0x3FB8];
	_ =	sdelay $0x3  }
0x37: {  	[smem:$0x3FB8] =	sst s10  }
0x38: {  	s10 =	sld [smem:$0x3FB9]  }
0x39: {  	_ = 	snop;
	(pc) =	sbr.ind lr, $3  }
0x3a: {  	_ = 	snop  }
0x3b: {  	_ = 	snop  }
0x3c: {  	p2 =	seq.s32 s10, $0x1;
	s10 =	sld [smem:$0x3FB8]  }
0x3d: {  	_ =	shalt  }
0x3e: {  	_ =	shalt  }
0x3f: {  	_ =	shalt  }
0x40: {  	_ =	shalt  }
0x41: {  	_ =	shalt  }
0x42: {  	_ =	shalt  }
0x43: {  	_ =	shalt  }
0x44: {  	_ =	shalt  }
0x45: {  	_ =	shalt  }
0x46: {  	_ =	shalt  }
0x47: {  	_ =	shalt  }
0x48: {  	_ =	shalt  }
0x49: {  	_ =	shalt  }
0x4a: {  	_ =	shalt  }
0x4b: {  	_ =	shalt  }
0x4c: {  	_ =	shalt  }
0x4d: {  	_ =	shalt  }
0x4e: {  	_ =	shalt  }
0x4f: {  	_ =	shalt  }
0x50: {  	_ =	shalt  }
0x51: {  	_ =	shalt  }
0x52: {  	_ =	shalt  }
0x53: {  	_ =	shalt  }
0x54: {  	_ =	shalt  }
0x55: {  	_ =	shalt  }
0x56: {  	_ =	shalt  }
0x57: {  	_ =	shalt  }
0x58: {  	_ =	shalt  }
0x59: {  	_ =	shalt  }
0x5a: {  	_ =	shalt  }
0x5b: {  	_ =	shalt  }
0x5c: {  	_ =	shalt  }
0x5d: {  	_ =	shalt  }
0x5e: {  	_ =	shalt  }
0x5f: {  	_ =	shalt  }
0x60: {  	_ =	shalt  }
0x61: {  	_ =	shalt  }
0x62: {  	_ =	shalt  }
0x63: {  	_ =	shalt  }
0x64: {  	_ =	shalt  }
0x65: {  	_ =	shalt  }
0x66: {  	_ =	shalt  }
0x67: {  	_ =	shalt  }
0x68: {  	_ =	shalt  }
0x69: {  	_ =	shalt  }
0x6a: {  	_ =	shalt  }
0x6b: {  	_ =	shalt  }
0x6c: {  	_ =	shalt  }
0x6d: {  	_ =	shalt  }
0x6e: {  	_ =	shalt  }
0x6f: {  	_ =	shalt  }
0x70: {  	_ =	shalt  }
0x71: {  	_ =	shalt  }
0x72: {  	_ =	shalt  }
0x73: {  	_ =	shalt  }
0x74: {  	_ =	shalt  }
0x75: {  	_ =	shalt  }
0x76: {  	_ =	shalt  }
0x77: {  	_ =	shalt  }
0x78: {  	_ =	shalt  }
0x79: {  	_ =	shalt  }
0x7a: {  	_ =	shalt  }
0x7b: {  	_ =	shalt  }
0x7c: {  	_ =	shalt  }
0x7d: {  	_ =	shalt  }
0x7e: {  	_ =	shalt  }
0x7f: {  	_ =	shalt  }
0x80: {  	_ =	shalt  }
0x81: {  	_ =	shalt  }
0x82: {  	_ =	shalt  }
0x83: {  	_ =	shalt  }
0x84: {  	_ =	shalt  }
0x85: {  	_ =	shalt  }
0x86: {  	_ =	shalt  }
0x87: {  	_ =	shalt  }
.Lfunc_end0:
.L_simem_size_0:
called_computation_lowered:
.L_overlay_start_0:
0x88: {  	s2 =	sld [smem:$0x3FD9]  }
0x89: {  	s3 =	sld [smem:$0x3FFE];
	_ =	sdelay $0x1  }
0x8a: {  	s1 =	srdreg.scid  }
0x8b: {  	s0 =	sand.u32 $0x1, s1  }
0x8c: {  	s17 =	sshll.u32 s0, $0xA;
	s2 =	sadd.s32 s3, s2  }
0x8d: {  	s2 =	sadd.s32 s2, s17  }
0x8e: {  	[smem:$0x3FC4] =	sst s2  }
0x8f: {  	_ = 	snop  }
0x90: {  	s2 =	sld [smem:$0x3FD0];
	(tm) =	ssettm $0x1  }
0x91: {  	s18 =	sld [smem:$0x3FFB];
	_ =	sdelay $0x3  }
0x92: {  	_ =	strace s18  }
0x93: {  	s3 =	sld [smem:$0x3FFC];
	_ =	sdelay $0x3  }
0x94: {  	_ =	strace s3  }
0x95: {  	s3 =	sld [smem:$0x3FFD];
	_ =	sdelay $0x3  }
0x96: {  	_ =	strace s3  }
0x97: {  	_ =	strace $0x8FFFFFFF  }
0x98: {  	s19 =	sld [smem:$0x3FDB];
	_ =	sdelay $0x1  }
0x99: {  	s4 =	simm.s32 $_scs_section_size  }
0x9a: {  	s5 =	simm.s32 $_size__tile_overlayer_lowered;
	s6 =	simm.s32 $_tile_overlayer_lowered  }
0x9b: {  	s22 =	simm.s32 $0x1BFF;
	s21 =	sshll.u32 s6, $0x1;
	s3 =	sadd.s32 s4, s19  }
0x9c: {  	s7 =	simm.s32 $0x0;
	s20 =	sshll.u32 s5, $0x1;
	s5 =	sadd.s32 s21, s3  }
0x9d: {  	[timem:s7], [sflag:s22] =	dma.local [hbm:s5], s20  }
0x9e: {  	_ =	swait.ge [sflag:s22], s20  }
0x9f: {  	s4 =	ssub.s32 $0x0, s20;
	[sflag:s22] =	ssyncset.done $0x0  }
0xa0: {  	[sflag:s22] =	ssyncadd.s32 s4;
	_ =	sdelay $0x1  }
0xa1: {  	s23 =	simm.s32 $0x1B8B  }
0xa2: {  	_ =	swait.ge [sflag:s23], $0x1  }
0xa3: {  	[sflag:s23] =	ssyncset.done $0x0  }
0xa4: {  	s25 =	simm.s32 $0x1B8E;
	s24 =	sld [smem:$0x3FFE];
	[sflag:s23] =	ssyncadd.s32 $0xFFFFFFFF  }
0xa5: {  	s26 =	simm.s32 $execute0_lowered;
	[smem:$0x3FD2] =	sst s25  }
0xa6: {  	s5 =	sshll.u32 s26, $0x1;
	_ =	strace $0x80000046;
	[dreg:$0x1] =	wrdreg $0xFFFFFFFF  }
0xa7: {  	s28 =	simm.s32 $_size_execute0_lowered;
	s3 =	sadd.s32 s3, s5;
	[dreg:$0x0] =	wrdreg $0x0  }
0xa8: {  	s5 =	sshll.u32 s28, $0x1;
	[dreg:$0x2] =	wrdreg s3  }
0xa9: {  	[dreg:$0x3] =	wrdreg s5  }
0xaa: {  	[dreg:$0x4] =	wrdreg $0xC0  }
0xab: {  	_ =	task [dreg:s7], $0x5FFFF  }
0xac: {  	[dreg:$0x1] =	wrdreg $0xFFFFFFFF  }
0xad: {  	[dreg:$0x0] =	wrdreg $0x60  }
0xae: {  	[dreg:$0x2] =	wrdreg s24  }
0xaf: {  	[dreg:$0x3] =	wrdreg s2  }
0xb0: {  	[dreg:$0x4] =	wrdreg $0x9  }
0xb1: {  	_ =	task.clear_ibuf [dreg:s7], $0x5FFFF;
	_ =	strace $0x90000046  }
0xb2: {  	s29 =	simm.s32 $0x9;
	_ =	strace $0x80000048  }
0xb3: {  	_ =	swait.ge [sflag:s29], $0x1  }
0xb4: {  	[sflag:s29] =	ssyncadd.s32 $0xFFFFFFFF  }
0xb5: {  	_ =	strace $0x90000048  }
0xb6: {  	_ =	sfence  }
0xb7: {  	s30 =	sld [smem:$0x0];
	_ =	sdelay $0x2  }
0xb8: {  	s31 =	sshll.u32 s1, $0xD;
	s1 =	sshrl.u32 s1, $0x2  }
0xb9: {  	s3 =	sand.u32 $0x4000, s31;
	s1 =	sadd.s32 s1, s30  }
0xba: {  	s0 =	sor.u32 s3, s0;
	s1 =	sshll.u32 s1, $0x11  }
0xbb: {  	s0 =	sor.u32 s1, s0  }
0xbc: {  	s0 =	sadd.s32 $0x8F2B, s0  }
0xbd: {  	[sflag:s0] =	ssyncadd.remote.s32 $0x1  }
0xbe: {  	_ =	sfence.sel $0xFFFF  }
0xbf: {  	[dreg:$0x0] =	wrdreg $0xFFFFFFFF;
	(pc) =	sbr.abs _section_cstart, $3  }
0xc0: {  	[dreg:$0x1] =	wrdreg $0xFFFFFFFF  }
0xc1: {  	_ =	task.clear_ibuf [dreg:s7], $0x2FFFF;
	_ =	strace $0x9FFFFFFF  }
0xc2: {  	(tm) =	ssettm $0x7FFFFFFF  }
0xc3: {  	_ =	shalt  }
tec
execute0_lowered:
.L_overlay_start_1:
0x0: {  	(tag) =	ssettag $0x1  }
0x1: {  	s0 =	srdreg.scid;
	s1 =	rddreg [dreg:$0x0]  }
0x2: {  	s7 =	stileid.u32;
	s4 =	rddreg [dreg:$0x1];
	s26 =	simm.s32 $0x8E80  }
0x3: {  	s10 =	simm.s32 $0xAE80;
	s0 =	sand.u32 $0x1, s0;
	s2 =	sshll.u32 s7, $0x1  }
0x4: {  	s3 =	smul.u32 $0x64, s7;
	s6 =	sor.u32 s0, s2;
	s2 =	simm.s32 $0x0  }
0x5: {  	s11 =	simm.s32 $0xB680;
	s20 =	smul.u32 $0x32000, s7;
	[smem:$0x7FF] =	sst s2  }
0x6: {  	s7 =	simm.s32 $0x9680;
	_ =	strace $0x80000047;
	[dreg:$0x7] =	wrdreg s26  }
0x7: {  	s12 =	simm.s32 $0xBE80;
	s13 =	simm.s32 $0xCE80;
	[dreg:$0x8] =	wrdreg s7  }
0x8: {  	s14 =	simm.s32 $0xD680;
	s15 =	simm.s32 $0xDE80;
	[dreg:$0xb] =	wrdreg s10  }
0x9: {  	s16 =	simm.s32 $0xE680;
	s17 =	simm.s32 $0xEE80;
	[dreg:$0xc] =	wrdreg s11  }
0xa: {  	s18 =	simm.s32 $0xF680;
	s19 =	simm.s32 $0xFE80;
	[dreg:$0xd] =	wrdreg s12  }
0xb: {  	s28 =	simm.s32 $0x2;
	s29 =	simm.s32 $0x10680;
	[dreg:$0xe] =	wrdreg s13  }
0xc: {  	s30 =	simm.s32 $0x3;
	s5 =	smul.u32 $0x32, s0;
	[dreg:$0xf] =	wrdreg s14  }
0xd: {  	s31 =	simm.s32 $0x4;
	s8 =	smul.u32 $0x19000, s0;
	[dreg:$0x10] =	wrdreg s15  }
0xe: {  	s0 =	ssub.s32 $0x2, s0;
	s6 =	smul.u32 $0xC8, s6;
	[dreg:$0x11] =	wrdreg s16  }
0xf: {  	s24 =	sshrl.u32 s0, $0x1;
	s3 =	sadd.s32 s5, s3;
	[dreg:$0x12] =	wrdreg s17  }
0x10: {  	s0 =	ssub.s32 s0, s24;
	s5 =	sadd.s32 $0x2700, s1;
	[dreg:$0x13] =	wrdreg s18  }
0x11: {  	s7 =	simm.s32 $0xB;
	s16 =	simm.s32 $0x4680;
	[dreg:$0x14] =	wrdreg s19  }
0x12: {  	s24 =	simm.s32 $0x12E80;
	s26 =	simm.s32 $0x13E80;
	s10 =	simm.s32 $0x8  }
0x13: {  	s11 =	simm.s32 $0x9;
	s12 =	simm.s32 $0xA;
	s13 =	simm.s32 $0x0  }
0x14: {  	s3 =	sshll.u32 s3, $0xB;
	s22 =	sadd.s32 s6, s1;
	[dreg:$0x19] =	wrdreg s24  }
0x15: {  	s6 =	smax.u32 s0, $0x1;
	s24 =	simm.s32 $0x8680;
	[dreg:$0x1b] =	wrdreg s26  }
0x16: {  	s21 =	sadd.s32 s3, s4;
	s4 =	sadd.s32 s20, s4;
	s20 =	simm.s32 $0x10E80  }
0x17: {  	s26 =	simm.s32 $0xC680;
	s9 =	sadd.s32 $0x1000, s21;
	[dreg:$0x15] =	wrdreg s20  }
0x18: {  	s0 =	simm.s32 $0x6;
	s4 =	sadd.s32 s8, s4;
	[dreg:$0x3] =	wrdreg s9  }
0x19: {  	s3 =	sadd.s32 $0x2600, s1;
	s23 =	sadd.s32 $0x800, s21;
	[dreg:$0x4] =	wrdreg s4  }
0x1a: {  	s1 =	simm.s32 $0x5;
	s25 =	sadd.s32 $0x2000, s21;
	[dreg:$0x5] =	wrdreg s23  }
0x1b: {  	s8 =	simm.s32 $0x9E80;
	s21 =	simm.s32 $0x11680;
	[dreg:$0x6] =	wrdreg s25  }
0x1c: {  	s20 =	simm.s32 $0x6680;
	s4 =	sadd.s32 $0xC00, s22;
	[dreg:$0x9] =	wrdreg s8  }
0x1d: {  	s9 =	simm.s32 $0xA680;
	s8 =	simm.s32 $0x680;
	[dreg:$0x16] =	wrdreg s21  }
0x1e: {  	s22 =	simm.s32 $0x11E80;
	s23 =	simm.s32 $0x12680;
	[dreg:$0xa] =	wrdreg s9  }
0x1f: {  	v2 =	vlaneseq.u32;
	s21 =	simm.s32 $0x6E80;
	s25 =	simm.s32 $0x13680;
	[dreg:$0x17] =	wrdreg s22  }
0x20: {  	vm0 =	vmmov $0xffff;
	v1 =	vshrl.u32 v2, $0x3;
	[dreg:$0x18] =	wrdreg s23;
	s22 =	simm.s32 $0x7680;
	s23 =	simm.s32 $0x7E80  }
0x21: {  	v0 =	vand.u32 $0x7, v2;
	v2 =	vor.u32 $0x8, v2;
	v1 =	vmul.u32 $0x8, v1;
	[dreg:$0x1a] =	wrdreg s25;
	s25 =	simm.s32 $0x1;
	s9 =	simm.s32 $0x7  }
.LBB2_1:
0x22: {  	[tilespmem:s2], [sflag:$0xB] =	stream.linear.gather [hbm4b:s4+s2], $0x640, $0x38;
	[tilespmem:$0x14680] =	vst v63  }
0x23: {  	_ =	swait.ge [sflag:s7], $0x640  }
0x24: {  	[sflag:s7] =	ssyncset.done $0x0  }
0x25: {  	[sflag:s7] =	ssyncadd.s32 $0xFFFFF9C0  }
0x26: {  	v3 =	vld [tilespmem:$0x0];
	_ =	sdelay $0x4  }
0x27: {  	v4 =	vshll.u32 v3, $0x2  }
0x28: {  	v3 =	vand.u32 $0x7, v3;
	v4 =	vand.u32 $0xFFFFFFE0, v4  }
0x29: {  	v3 =	vor.u32 v3, v4  }
0x2a: {  	v4 =	vperm.xlane v3, v0;
	_ =	sdelay $0x1  }
0x2b: {  	v4 =	vadd.s32 v1, v4;
	_ =	sdelay $0x1  }
0x2c: {  	v3 =	vperm.xlane v3, v2;
	_ =	sdelay $0x1  }
0x2d: {  	v3 =	vadd.s32 v1, v3  }
0x2e: {  	[tilespmem:s8], [sflag:$0x1] =	stream.indirect_vreg.gather [hbm4b:s3+s2], $0x80, v4, vm0, $0xb8;
	[tilespmem:$0x14680] =	vst v63  }
0x2f: {  	s14 =	simm.s32 $0xE80  }
0x30: {  	[tilespmem:s14], [sflag:$0x1] =	stream.indirect_vreg.gather [hbm4b:s5+s2], $0x80, v4, vm0, $0xb8;
	[tilespmem:$0x14680] =	vst v63  }
0x31: {  	s19 =	simm.s32 $0x1680  }
0x32: {  	[tilespmem:s19], [sflag:$0x1] =	stream.indirect_vreg.gather [hbm4b:s3+s2], $0x80, v3, vm0, $0xb8;
	[tilespmem:$0x14680] =	vst v63  }
0x33: {  	s15 =	simm.s32 $0x1E80  }
0x34: {  	[tilespmem:s15], [sflag:$0x1] =	stream.indirect_vreg.gather [hbm4b:s5+s2], $0x80, v3, vm0, $0xb8;
	[tilespmem:$0x14680] =	vst v63  }
0x35: {  	v3 =	vld [tilespmem:$0x10];
	_ =	sdelay $0x4  }
0x36: {  	v61 =	vshll.u32 v3, $0x2  }
0x37: {  	v3 =	vand.u32 $0x7, v3;
	v4 =	vand.u32 $0xFFFFFFE0, v61  }
0x38: {  	v3 =	vor.u32 v3, v4  }
0x39: {  	v4 =	vperm.xlane v3, v0;
	_ =	sdelay $0x1  }
0x3a: {  	v4 =	vadd.s32 v1, v4;
	_ =	sdelay $0x1  }
0x3b: {  	v3 =	vperm.xlane v3, v2;
	_ =	sdelay $0x1  }
0x3c: {  	s17 =	simm.s32 $0x2680;
	v3 =	vadd.s32 v1, v3  }
0x3d: {  	[tilespmem:s17], [sflag:$0x1] =	stream.indirect_vreg.gather [hbm4b:s3+s2], $0x80, v4, vm0, $0xb8;
	[tilespmem:$0x14680] =	vst v63  }
0x3e: {  	s18 =	simm.s32 $0x2E80  }
0x3f: {  	[tilespmem:s18], [sflag:$0x1] =	stream.indirect_vreg.gather [hbm4b:s5+s2], $0x80, v4, vm0, $0xb8;
	[tilespmem:$0x14680] =	vst v63  }
0x40: {  	s19 =	simm.s32 $0x3680  }
0x41: {  	[tilespmem:s19], [sflag:$0x1] =	stream.indirect_vreg.gather [hbm4b:s3+s2], $0x80, v3, vm0, $0xb8;
	[tilespmem:$0x14680] =	vst v63  }
0x42: {  	s15 =	simm.s32 $0x3E80  }
0x43: {  	[tilespmem:s15], [sflag:$0x1] =	stream.indirect_vreg.gather [hbm4b:s5+s2], $0x80, v3, vm0, $0xb8;
	[tilespmem:$0x14680] =	vst v63  }
0x44: {  	v3 =	vld [tilespmem:$0x20];
	_ =	sdelay $0x4  }
0x45: {  	v62 =	vshll.u32 v3, $0x2  }
0x46: {  	v3 =	vand.u32 $0x7, v3;
	v4 =	vand.u32 $0xFFFFFFE0, v62  }
0x47: {  	v3 =	vor.u32 v3, v4  }
0x48: {  	v4 =	vperm.xlane v3, v0;
	_ =	sdelay $0x1  }
0x49: {  	v4 =	vadd.s32 v1, v4;
	_ =	sdelay $0x1  }
0x4a: {  	v3 =	vperm.xlane v3, v2;
	_ =	sdelay $0x1  }
0x4b: {  	v3 =	vadd.s32 v1, v3  }
0x4c: {  	[tilespmem:s16], [sflag:$0x2] =	stream.indirect_vreg.gather [hbm4b:s3+s2], $0x80, v4, vm0, $0xb8;
	[tilespmem:$0x14680] =	vst v63  }
0x4d: {  	s17 =	simm.s32 $0x4E80  }
0x4e: {  	[tilespmem:s17], [sflag:$0x2] =	stream.indirect_vreg.gather [hbm4b:s5+s2], $0x80, v4, vm0, $0xb8;
	[tilespmem:$0x14680] =	vst v63  }
0x4f: {  	s18 =	simm.s32 $0x5680  }
0x50: {  	[tilespmem:s18], [sflag:$0x2] =	stream.indirect_vreg.gather [hbm4b:s3+s2], $0x80, v3, vm0, $0xb8;
	[tilespmem:$0x14680] =	vst v63  }
0x51: {  	s19 =	simm.s32 $0x5E80  }
0x52: {  	[tilespmem:s19], [sflag:$0x2] =	stream.indirect_vreg.gather [hbm4b:s5+s2], $0x80, v3, vm0, $0xb8;
	[tilespmem:$0x14680] =	vst v63  }
0x53: {  	v3 =	vld [tilespmem:$0x30];
	_ =	sdelay $0x4  }
0x54: {  	v63 =	vshll.u32 v3, $0x2  }
0x55: {  	v3 =	vand.u32 $0x7, v3;
	v4 =	vand.u32 $0xFFFFFFE0, v63  }
0x56: {  	v3 =	vor.u32 v3, v4  }
0x57: {  	v4 =	vperm.xlane v3, v0;
	_ =	sdelay $0x1  }
0x58: {  	v4 =	vadd.s32 v1, v4;
	_ =	sdelay $0x1  }
0x59: {  	v3 =	vperm.xlane v3, v2;
	_ =	sdelay $0x1  }
0x5a: {  	v3 =	vadd.s32 v1, v3  }
0x5b: {  	[tilespmem:s20], [sflag:$0x2] =	stream.indirect_vreg.gather [hbm4b:s3+s2], $0x80, v4, vm0, $0xb8;
	[tilespmem:$0x14680] =	vst v63  }
0x5c: {  	_ = 	snop  }
0x5d: {  	[tilespmem:s21], [sflag:$0x2] =	stream.indirect_vreg.gather [hbm4b:s5+s2], $0x80, v4, vm0, $0xb8;
	[tilespmem:$0x14680] =	vst v63  }
0x5e: {  	_ = 	snop  }
0x5f: {  	[tilespmem:s22], [sflag:$0x2] =	stream.indirect_vreg.gather [hbm4b:s3+s2], $0x80, v3, vm0, $0xb8;
	[tilespmem:$0x14680] =	vst v63  }
0x60: {  	s14 =	simm.s32 $0x70;
	s15 =	simm.s32 $0x0  }
0x61: {  	[tilespmem:s23], [sflag:$0x2] =	stream.indirect_vreg.gather [hbm4b:s5+s2], $0x80, v3, vm0, $0xb8;
	[tilespmem:$0x14680] =	vst v63  }
.LBB2_2:
0x62: {  	p0 =	seq.s32 s15, $0x0  }
0x63: {  	s17 =	simm.s32 @!p0 $0x8  }
0x64: {  	_ =	swait.ge @!p0 [sflag:s17], $0x4000  }
0x65: {  	[sflag:s17] =	ssyncset.done @!p0 $0x0  }
0x66: {  	[sflag:s17] =	ssyncadd.s32 @!p0 $0xFFFFC000  }
0x67: {  	v3 =	vld [tilespmem:s14+$0xFFFFFFD0];
	_ =	sdelay $0x4  }
0x68: {  	v4 =	vshll.u32 v3, $0x2  }
0x69: {  	v3 =	vand.u32 $0x7, v3;
	v4 =	vand.u32 $0xFFFFFFE0, v4  }
0x6a: {  	v3 =	vor.u32 v3, v4  }
0x6b: {  	v4 =	vperm.xlane v3, v0;
	_ =	sdelay $0x1  }
0x6c: {  	v4 =	vadd.s32 v1, v4;
	_ =	sdelay $0x1  }
0x6d: {  	v3 =	vperm.xlane v3, v2;
	_ =	sdelay $0x1  }
0x6e: {  	v3 =	vadd.s32 v1, v3  }
0x6f: {  	[tilespmem:s24], [sflag:$0x3] =	stream.indirect_vreg.gather [hbm4b:s3+s2], $0x80, v4, vm0, $0xb8;
	[tilespmem:$0x14680] =	vst v63  }
0x70: {  	s19 =	rddreg [dreg:$0x7]  }
0x71: {  	[tilespmem:s19], [sflag:$0x3] =	stream.indirect_vreg.gather [hbm4b:s5+s2], $0x80, v4, vm0, $0xb8;
	[tilespmem:$0x14680] =	vst v63  }
0x72: {  	s18 =	rddreg [dreg:$0x8]  }
0x73: {  	[tilespmem:s18], [sflag:$0x3] =	stream.indirect_vreg.gather [hbm4b:s3+s2], $0x80, v3, vm0, $0xb8;
	[tilespmem:$0x14680] =	vst v63  }
0x74: {  	s19 =	rddreg [dreg:$0x9]  }
0x75: {  	[tilespmem:s19], [sflag:$0x3] =	stream.indirect_vreg.gather [hbm4b:s5+s2], $0x80, v3, vm0, $0xb8;
	[tilespmem:$0x14680] =	vst v63  }
0x76: {  	v3 =	vld [tilespmem:s14+$0xFFFFFFE0];
	_ =	sdelay $0x4  }
0x77: {  	v59 =	vshll.u32 v3, $0x2  }
0x78: {  	v3 =	vand.u32 $0x7, v3;
	v4 =	vand.u32 $0xFFFFFFE0, v59  }
0x79: {  	v3 =	vor.u32 v3, v4  }
0x7a: {  	v4 =	vperm.xlane v3, v0;
	_ =	sdelay $0x1  }
0x7b: {  	v4 =	vadd.s32 v1, v4;
	_ =	sdelay $0x1  }
0x7c: {  	v3 =	vperm.xlane v3, v2;
	_ =	sdelay $0x1  }
0x7d: {  	s18 =	rddreg [dreg:$0xa];
	v3 =	vadd.s32 v1, v3  }
0x7e: {  	[tilespmem:s18], [sflag:$0x3] =	stream.indirect_vreg.gather [hbm4b:s3+s2], $0x80, v4, vm0, $0xb8;
	[tilespmem:$0x14680] =	vst v63  }
0x7f: {  	s19 =	rddreg [dreg:$0xb]  }
0x80: {  	[tilespmem:s19], [sflag:$0x3] =	stream.indirect_vreg.gather [hbm4b:s5+s2], $0x80, v4, vm0, $0xb8;
	[tilespmem:$0x14680] =	vst v63  }
0x81: {  	s17 =	rddreg [dreg:$0xc]  }
0x82: {  	[tilespmem:s17], [sflag:$0x3] =	stream.indirect_vreg.gather [hbm4b:s3+s2], $0x80, v3, vm0, $0xb8;
	[tilespmem:$0x14680] =	vst v63  }
0x83: {  	s19 =	rddreg [dreg:$0xd]  }
0x84: {  	[tilespmem:s19], [sflag:$0x3] =	stream.indirect_vreg.gather [hbm4b:s5+s2], $0x80, v3, vm0, $0xb8;
	[tilespmem:$0x14680] =	vst v63  }
0x85: {  	_ =	swait.ge [sflag:s25], $0x4000  }
0x86: {  	s18 =	rddreg [dreg:$0x4];
	[sflag:s25] =	ssyncset.done $0x0  }
0x87: {  	[sflag:s25] =	ssyncadd.s32 $0xFFFFC000;
	s17 =	sadd.s32 s15, s18  }
0x88: {  	[hbm4b:s17+s2] =	stream.linear.scatter [tilespmem:s8], [sflag:$0x6], $0x4000, $0x38;
	[tilespmem:$0x14680] =	vst v63  }
0x89: {  	s17 =	simm.s32 @!p0 $0x9  }
0x8a: {  	_ =	swait.ge @!p0 [sflag:s17], $0x4000  }
0x8b: {  	[sflag:s17] =	ssyncset.done @!p0 $0x0  }
0x8c: {  	[sflag:s17] =	ssyncadd.s32 @!p0 $0xFFFFC000  }
0x8d: {  	v3 =	vld [tilespmem:s14+$0xFFFFFFF0];
	_ =	sdelay $0x4  }
0x8e: {  	v60 =	vshll.u32 v3, $0x2  }
0x8f: {  	v3 =	vand.u32 $0x7, v3;
	v4 =	vand.u32 $0xFFFFFFE0, v60  }
0x90: {  	v3 =	vor.u32 v3, v4  }
0x91: {  	v4 =	vperm.xlane v3, v0;
	_ =	sdelay $0x1  }
0x92: {  	v4 =	vadd.s32 v1, v4;
	_ =	sdelay $0x1  }
0x93: {  	v3 =	vperm.xlane v3, v2;
	_ =	sdelay $0x1  }
0x94: {  	v3 =	vadd.s32 v1, v3  }
0x95: {  	[tilespmem:s26], [sflag:$0x4] =	stream.indirect_vreg.gather [hbm4b:s3+s2], $0x80, v4, vm0, $0xb8;
	[tilespmem:$0x14680] =	vst v63  }
0x96: {  	s19 =	rddreg [dreg:$0xe]  }
0x97: {  	[tilespmem:s19], [sflag:$0x4] =	stream.indirect_vreg.gather [hbm4b:s5+s2], $0x80, v4, vm0, $0xb8;
	[tilespmem:$0x14680] =	vst v63  }
0x98: {  	s18 =	rddreg [dreg:$0xf]  }
0x99: {  	[tilespmem:s18], [sflag:$0x4] =	stream.indirect_vreg.gather [hbm4b:s3+s2], $0x80, v3, vm0, $0xb8;
	[tilespmem:$0x14680] =	vst v63  }
0x9a: {  	s19 =	rddreg [dreg:$0x10]  }
0x9b: {  	[tilespmem:s19], [sflag:$0x4] =	stream.indirect_vreg.gather [hbm4b:s5+s2], $0x80, v3, vm0, $0xb8;
	[tilespmem:$0x14680] =	vst v63  }
0x9c: {  	v3 =	vld [tilespmem:s14+$0x0];
	_ =	sdelay $0x4  }
0x9d: {  	v61 =	vshll.u32 v3, $0x2  }
0x9e: {  	v3 =	vand.u32 $0x7, v3;
	v4 =	vand.u32 $0xFFFFFFE0, v61  }
0x9f: {  	v3 =	vor.u32 v3, v4  }
0xa0: {  	v4 =	vperm.xlane v3, v0;
	_ =	sdelay $0x1  }
0xa1: {  	v4 =	vadd.s32 v1, v4;
	_ =	sdelay $0x1  }
0xa2: {  	v3 =	vperm.xlane v3, v2;
	_ =	sdelay $0x1  }
0xa3: {  	s18 =	rddreg [dreg:$0x11];
	v3 =	vadd.s32 v1, v3  }
0xa4: {  	[tilespmem:s18], [sflag:$0x4] =	stream.indirect_vreg.gather [hbm4b:s3+s2], $0x80, v4, vm0, $0xb8;
	[tilespmem:$0x14680] =	vst v63  }
0xa5: {  	s19 =	rddreg [dreg:$0x12]  }
0xa6: {  	[tilespmem:s19], [sflag:$0x4] =	stream.indirect_vreg.gather [hbm4b:s5+s2], $0x80, v4, vm0, $0xb8;
	[tilespmem:$0x14680] =	vst v63  }
0xa7: {  	s17 =	rddreg [dreg:$0x13]  }
0xa8: {  	[tilespmem:s17], [sflag:$0x4] =	stream.indirect_vreg.gather [hbm4b:s3+s2], $0x80, v3, vm0, $0xb8;
	[tilespmem:$0x14680] =	vst v63  }
0xa9: {  	s19 =	rddreg [dreg:$0x14]  }
0xaa: {  	[tilespmem:s19], [sflag:$0x4] =	stream.indirect_vreg.gather [hbm4b:s5+s2], $0x80, v3, vm0, $0xb8;
	[tilespmem:$0x14680] =	vst v63  }
0xab: {  	_ =	swait.ge [sflag:s28], $0x4000  }
0xac: {  	s18 =	rddreg [dreg:$0x5];
	[sflag:s28] =	ssyncset.done $0x0  }
0xad: {  	[sflag:s28] =	ssyncadd.s32 $0xFFFFC000;
	s17 =	sadd.s32 s15, s18  }
0xae: {  	[hbm4b:s17+s2] =	stream.linear.scatter [tilespmem:s16], [sflag:$0x7], $0x4000, $0x38;
	[tilespmem:$0x14680] =	vst v63  }
0xaf: {  	s17 =	simm.s32 @!p0 $0xA  }
0xb0: {  	_ =	swait.ge @!p0 [sflag:s17], $0x4000  }
0xb1: {  	[sflag:s17] =	ssyncset.done @!p0 $0x0  }
0xb2: {  	[sflag:s17] =	ssyncadd.s32 @!p0 $0xFFFFC000  }
0xb3: {  	v3 =	vld [tilespmem:s14+$0x10];
	_ =	sdelay $0x4  }
0xb4: {  	v62 =	vshll.u32 v3, $0x2  }
0xb5: {  	v3 =	vand.u32 $0x7, v3;
	v4 =	vand.u32 $0xFFFFFFE0, v62  }
0xb6: {  	v3 =	vor.u32 v3, v4  }
0xb7: {  	v4 =	vperm.xlane v3, v0;
	_ =	sdelay $0x1  }
0xb8: {  	v4 =	vadd.s32 v1, v4;
	_ =	sdelay $0x1  }
0xb9: {  	v3 =	vperm.xlane v3, v2;
	_ =	sdelay $0x1  }
0xba: {  	v3 =	vadd.s32 v1, v3  }
0xbb: {  	[tilespmem:s29], [sflag:$0x5] =	stream.indirect_vreg.gather [hbm4b:s3+s2], $0x80, v4, vm0, $0xb8;
	[tilespmem:$0x14680] =	vst v63  }
0xbc: {  	s19 =	rddreg [dreg:$0x15]  }
0xbd: {  	[tilespmem:s19], [sflag:$0x5] =	stream.indirect_vreg.gather [hbm4b:s5+s2], $0x80, v4, vm0, $0xb8;
	[tilespmem:$0x14680] =	vst v63  }
0xbe: {  	s18 =	rddreg [dreg:$0x16]  }
0xbf: {  	[tilespmem:s18], [sflag:$0x5] =	stream.indirect_vreg.gather [hbm4b:s3+s2], $0x80, v3, vm0, $0xb8;
	[tilespmem:$0x14680] =	vst v63  }
0xc0: {  	s19 =	rddreg [dreg:$0x17]  }
0xc1: {  	[tilespmem:s19], [sflag:$0x5] =	stream.indirect_vreg.gather [hbm4b:s5+s2], $0x80, v3, vm0, $0xb8;
	[tilespmem:$0x14680] =	vst v63  }
0xc2: {  	v3 =	vld [tilespmem:s14+$0x20];
	_ =	sdelay $0x4  }
0xc3: {  	v63 =	vshll.u32 v3, $0x2  }
0xc4: {  	v3 =	vand.u32 $0x7, v3;
	v4 =	vand.u32 $0xFFFFFFE0, v63  }
0xc5: {  	v3 =	vor.u32 v3, v4  }
0xc6: {  	v4 =	vperm.xlane v3, v0;
	_ =	sdelay $0x1  }
0xc7: {  	v4 =	vadd.s32 v1, v4;
	_ =	sdelay $0x1  }
0xc8: {  	v3 =	vperm.xlane v3, v2;
	_ =	sdelay $0x1  }
0xc9: {  	s18 =	rddreg [dreg:$0x18];
	v3 =	vadd.s32 v1, v3  }
0xca: {  	[tilespmem:s18], [sflag:$0x5] =	stream.indirect_vreg.gather [hbm4b:s3+s2], $0x80, v4, vm0, $0xb8;
	[tilespmem:$0x14680] =	vst v63  }
0xcb: {  	s19 =	rddreg [dreg:$0x19]  }
0xcc: {  	[tilespmem:s19], [sflag:$0x5] =	stream.indirect_vreg.gather [hbm4b:s5+s2], $0x80, v4, vm0, $0xb8;
	[tilespmem:$0x14680] =	vst v63  }
0xcd: {  	s17 =	rddreg [dreg:$0x1a]  }
0xce: {  	[tilespmem:s17], [sflag:$0x5] =	stream.indirect_vreg.gather [hbm4b:s3+s2], $0x80, v3, vm0, $0xb8;
	[tilespmem:$0x14680] =	vst v63  }
0xcf: {  	s19 =	rddreg [dreg:$0x1b]  }
0xd0: {  	[tilespmem:s19], [sflag:$0x5] =	stream.indirect_vreg.gather [hbm4b:s5+s2], $0x80, v3, vm0, $0xb8;
	[tilespmem:$0x14680] =	vst v63  }
0xd1: {  	_ =	swait.ge [sflag:s30], $0x4000  }
0xd2: {  	p0 =	seq.s32 s15, $0x16800;
	s18 =	rddreg [dreg:$0x3];
	[sflag:s30] =	ssyncset.done $0x0  }
0xd3: {  	s17 =	simm.s32 @!p0 $0x6;
	[sflag:s30] =	ssyncadd.s32 $0xFFFFC000;
	s18 =	sadd.s32 s15, s18  }
0xd4: {  	[hbm4b:s18+s2] =	stream.linear.scatter [tilespmem:s24], [sflag:$0x8], $0x4000, $0x38;
	[tilespmem:$0x14680] =	vst v63  }
0xd5: {  	_ =	swait.ge @!p0 [sflag:s17], $0x4000  }
0xd6: {  	[sflag:s17] =	ssyncset.done @!p0 $0x0  }
0xd7: {  	[sflag:s17] =	ssyncadd.s32 @!p0 $0xFFFFC000  }
0xd8: {  	v3 =	vld @!p0 [tilespmem:s14+$0x30];
	_ =	sdelay $0x4  }
0xd9: {  	v4 =	vshll.u32 @!p0 v3, $0x2  }
0xda: {  	v5 =	vlaneseq.u32 @!p0;
	v3 =	vand.u32 @!p0 $0x7, v3;
	v4 =	vand.u32 @!p0 $0xFFFFFFE0, v4  }
0xdb: {  	v6 =	vshrl.u32 @!p0 v5, $0x3;
	v3 =	vor.u32 @!p0 v3, v4;
	v4 =	vand.u32 @!p0 $0x7, v5  }
0xdc: {  	v6 =	vmul.u32 @!p0 $0x8, v6;
	v7 =	vperm.xlane @!p0 v3, v4;
	_ =	sdelay $0x1  }
0xdd: {  	v7 =	vadd.s32 @!p0 v6, v7  }
0xde: {  	v5 =	vor.u32 @!p0 $0x8, v5  }
0xdf: {  	v3 =	vperm.xlane @!p0 v3, v5;
	_ =	sdelay $0x1  }
0xe0: {  	vm1 =	vmmov @!p0 $0xffff;
	s19 =	simm.s32 @!p0 $0x680;
	s17 =	simm.s32 @!p0 $0x0;
	v3 =	vadd.s32 @!p0 v6, v3  }
0xe1: {  	[tilespmem:s19], [sflag:$0x1] =	stream.indirect_vreg.gather @!p0 [hbm4b:s3+s17], $0x80, v7, vm1, $0xb8;
	[tilespmem:$0x14680] =	vst v63  }
0xe2: {  	s19 =	simm.s32 @!p0 $0xE80  }
0xe3: {  	[tilespmem:s19], [sflag:$0x1] =	stream.indirect_vreg.gather @!p0 [hbm4b:s5+s17], $0x80, v7, vm1, $0xb8;
	[tilespmem:$0x14680] =	vst v63  }
0xe4: {  	s19 =	simm.s32 @!p0 $0x1680  }
0xe5: {  	[tilespmem:s19], [sflag:$0x1] =	stream.indirect_vreg.gather @!p0 [hbm4b:s3+s17], $0x80, v3, vm1, $0xb8;
	[tilespmem:$0x14680] =	vst v63  }
0xe6: {  	s19 =	simm.s32 @!p0 $0x1E80  }
0xe7: {  	[tilespmem:s19], [sflag:$0x1] =	stream.indirect_vreg.gather @!p0 [hbm4b:s5+s17], $0x80, v3, vm1, $0xb8;
	[tilespmem:$0x14680] =	vst v63  }
0xe8: {  	v3 =	vld @!p0 [tilespmem:s14+$0x40];
	_ =	sdelay $0x4  }
0xe9: {  	v7 =	vshll.u32 @!p0 v3, $0x2  }
0xea: {  	v3 =	vand.u32 @!p0 $0x7, v3;
	v7 =	vand.u32 @!p0 $0xFFFFFFE0, v7  }
0xeb: {  	v3 =	vor.u32 @!p0 v3, v7  }
0xec: {  	v7 =	vperm.xlane @!p0 v3, v4;
	_ =	sdelay $0x1  }
0xed: {  	v7 =	vadd.s32 @!p0 v6, v7;
	_ =	sdelay $0x1  }
0xee: {  	v3 =	vperm.xlane @!p0 v3, v5;
	_ =	sdelay $0x1  }
0xef: {  	s19 =	simm.s32 @!p0 $0x2680;
	v3 =	vadd.s32 @!p0 v6, v3  }
0xf0: {  	[tilespmem:s19], [sflag:$0x1] =	stream.indirect_vreg.gather @!p0 [hbm4b:s3+s17], $0x80, v7, vm1, $0xb8;
	[tilespmem:$0x14680] =	vst v63  }
0xf1: {  	s19 =	simm.s32 @!p0 $0x2E80  }
0xf2: {  	[tilespmem:s19], [sflag:$0x1] =	stream.indirect_vreg.gather @!p0 [hbm4b:s5+s17], $0x80, v7, vm1, $0xb8;
	[tilespmem:$0x14680] =	vst v63  }
0xf3: {  	s19 =	simm.s32 @!p0 $0x3680  }
0xf4: {  	[tilespmem:s19], [sflag:$0x1] =	stream.indirect_vreg.gather @!p0 [hbm4b:s3+s17], $0x80, v3, vm1, $0xb8;
	[tilespmem:$0x14680] =	vst v63  }
0xf5: {  	s19 =	simm.s32 @!p0 $0x3E80  }
0xf6: {  	[tilespmem:s19], [sflag:$0x1] =	stream.indirect_vreg.gather @!p0 [hbm4b:s5+s17], $0x80, v3, vm1, $0xb8;
	[tilespmem:$0x14680] =	vst v63  }
0xf7: {  	_ =	swait.ge [sflag:s31], $0x4000  }
0xf8: {  	[sflag:s31] =	ssyncset.done $0x0  }
0xf9: {  	s18 =	sadd.s32 $0x800, s18;
	[sflag:s31] =	ssyncadd.s32 $0xFFFFC000  }
0xfa: {  	[hbm4b:s18+s2] =	stream.linear.scatter [tilespmem:s26], [sflag:$0x9], $0x4000, $0x38;
	[tilespmem:$0x14680] =	vst v63  }
0xfb: {  	s18 =	simm.s32 @!p0 $0x7  }
0xfc: {  	_ =	swait.ge @!p0 [sflag:s18], $0x4000  }
0xfd: {  	[sflag:s18] =	ssyncset.done @!p0 $0x0  }
0xfe: {  	[sflag:s18] =	ssyncadd.s32 @!p0 $0xFFFFC000  }
0xff: {  	v3 =	vld @!p0 [tilespmem:s14+$0x50];
	_ =	sdelay $0x4  }
0x100: {  	v7 =	vshll.u32 @!p0 v3, $0x2  }
0x101: {  	v3 =	vand.u32 @!p0 $0x7, v3;
	v7 =	vand.u32 @!p0 $0xFFFFFFE0, v7  }
0x102: {  	v3 =	vor.u32 @!p0 v3, v7  }
0x103: {  	v7 =	vperm.xlane @!p0 v3, v4;
	_ =	sdelay $0x1  }
0x104: {  	v7 =	vadd.s32 @!p0 v6, v7;
	_ =	sdelay $0x1  }
0x105: {  	v3 =	vperm.xlane @!p0 v3, v5;
	_ =	sdelay $0x1  }
0x106: {  	s18 =	simm.s32 @!p0 $0x4680;
	v3 =	vadd.s32 @!p0 v6, v3  }
0x107: {  	[tilespmem:s18], [sflag:$0x2] =	stream.indirect_vreg.gather @!p0 [hbm4b:s3+s17], $0x80, v7, vm1, $0xb8;
	[tilespmem:$0x14680] =	vst v63  }
0x108: {  	s18 =	simm.s32 @!p0 $0x4E80  }
0x109: {  	[tilespmem:s18], [sflag:$0x2] =	stream.indirect_vreg.gather @!p0 [hbm4b:s5+s17], $0x80, v7, vm1, $0xb8;
	[tilespmem:$0x14680] =	vst v63  }
0x10a: {  	s18 =	simm.s32 @!p0 $0x5680  }
0x10b: {  	[tilespmem:s18], [sflag:$0x2] =	stream.indirect_vreg.gather @!p0 [hbm4b:s3+s17], $0x80, v3, vm1, $0xb8;
	[tilespmem:$0x14680] =	vst v63  }
0x10c: {  	s18 =	simm.s32 @!p0 $0x5E80  }
0x10d: {  	[tilespmem:s18], [sflag:$0x2] =	stream.indirect_vreg.gather @!p0 [hbm4b:s5+s17], $0x80, v3, vm1, $0xb8;
	[tilespmem:$0x14680] =	vst v63  }
0x10e: {  	v3 =	vld @!p0 [tilespmem:s14+$0x60];
	_ =	sdelay $0x4  }
0x10f: {  	v7 =	vshll.u32 @!p0 v3, $0x2  }
0x110: {  	v3 =	vand.u32 @!p0 $0x7, v3;
	v7 =	vand.u32 @!p0 $0xFFFFFFE0, v7  }
0x111: {  	v3 =	vor.u32 @!p0 v3, v7  }
0x112: {  	v4 =	vperm.xlane @!p0 v3, v4;
	_ =	sdelay $0x1  }
0x113: {  	v4 =	vadd.s32 @!p0 v6, v4;
	_ =	sdelay $0x1  }
0x114: {  	v3 =	vperm.xlane @!p0 v3, v5;
	_ =	sdelay $0x1  }
0x115: {  	s18 =	simm.s32 @!p0 $0x6680;
	v3 =	vadd.s32 @!p0 v6, v3  }
0x116: {  	[tilespmem:s18], [sflag:$0x2] =	stream.indirect_vreg.gather @!p0 [hbm4b:s3+s17], $0x80, v4, vm1, $0xb8;
	[tilespmem:$0x14680] =	vst v63  }
0x117: {  	s18 =	simm.s32 @!p0 $0x6E80  }
0x118: {  	[tilespmem:s18], [sflag:$0x2] =	stream.indirect_vreg.gather @!p0 [hbm4b:s5+s17], $0x80, v4, vm1, $0xb8;
	[tilespmem:$0x14680] =	vst v63  }
0x119: {  	s18 =	simm.s32 @!p0 $0x7680  }
0x11a: {  	[tilespmem:s18], [sflag:$0x2] =	stream.indirect_vreg.gather @!p0 [hbm4b:s3+s17], $0x80, v3, vm1, $0xb8;
	[tilespmem:$0x14680] =	vst v63  }
0x11b: {  	s18 =	simm.s32 @!p0 $0x7E80  }
0x11c: {  	[tilespmem:s18], [sflag:$0x2] =	stream.indirect_vreg.gather @!p0 [hbm4b:s5+s17], $0x80, v3, vm1, $0xb8;
	[tilespmem:$0x14680] =	vst v63  }
0x11d: {  	_ =	swait.ge [sflag:s1], $0x4000  }
0x11e: {  	s19 =	rddreg [dreg:$0x6]  }
0x11f: {  	s17 =	sadd.s32 s15, s19;
	s15 =	sadd.s32 $0x2800, s15  }
0x120: {  	p0 =	sne.s32 s15, $0x19000  }
.Ltmp0:
0x121: {  	_ = 	snop;
	(pc) =	sbr.rel @p0 .LBB2_2-.Ltmp0, $4  }
0x122: {  	_ = 	snop  }
0x123: {  	[sflag:s1] =	ssyncset.done $0x0  }
0x124: {  	s14 =	sadd.s32 $0xA0, s14;
	[sflag:s1] =	ssyncadd.s32 $0xFFFFC000  }
0x125: {  	[hbm4b:s17+s2] =	stream.linear.scatter [tilespmem:s29], [sflag:$0xA], $0x4000, $0x38;
	[tilespmem:$0x14680] =	vst v63  }
0x126: {  	_ =	swait.ge [sflag:s0], $0x4000  }
0x127: {  	[sflag:s0] =	ssyncset.done $0x0  }
0x128: {  	[sflag:s0] =	ssyncadd.s32 $0xFFFFC000  }
0x129: {  	_ =	swait.ge [sflag:s9], $0x4000  }
0x12a: {  	[sflag:s9] =	ssyncset.done $0x0  }
0x12b: {  	[sflag:s9] =	ssyncadd.s32 $0xFFFFC000  }
0x12c: {  	_ =	swait.ge [sflag:s10], $0x4000  }
0x12d: {  	[sflag:s10] =	ssyncset.done $0x0  }
0x12e: {  	s13 =	sadd.s32 $0x1, s13;
	[sflag:s10] =	ssyncadd.s32 $0xFFFFC000  }
0x12f: {  	p0 =	sne.s32 s13, s6;
	_ =	swait.ge [sflag:s11], $0x4000  }
.Ltmp1:
0x130: {  	[sflag:s11] =	ssyncset.done $0x0;
	(pc) =	sbr.rel @p0 .LBB2_1-.Ltmp1, $4  }
0x131: {  	[sflag:s11] =	ssyncadd.s32 $0xFFFFC000  }
0x132: {  	_ =	swait.ge [sflag:s12], $0x4000  }
0x133: {  	[sflag:s12] =	ssyncset.done $0x0  }
0x134: {  	[sflag:s12] =	ssyncadd.s32 $0xFFFFC000  }
0x135: {  	_ =	sfence.sel $0x180000  }
0x136: {  	[bflag:$0x0] =	sbarrier.arrive $0xFFFF  }
0x137: {  	_ =	strace $0x90000047  }
0x138: {  	s0 =	stileid.u32;
	[bflag:$0x2] =	sbarrier.arrive $0xFFFF  }
0x139: {  	p0 =	sne.s32 s0, $0x0;
	s0 =	rddreg [dreg:$0x2]  }
0x13a: {  	s0 =	sadd.s32 @!p0 $0x100000, s0  }
0x13b: {  	[sflag:s0] =	ssyncadd.tile.s32 @!p0 $0x1;
	_ =	shalt  }
.Lfunc_end2:
_tile_overlayer_lowered:
.L_overlay_start_2:
0x13c: {  	(tag) =	ssettag $0x2  }
0x13d: {  	s0 =	rddreg [dreg:$0x0];
	s2 =	stileid.u32  }
0x13e: {  	s1 =	rddreg [dreg:$0x1];
	p0 =	sne.s32 s2, $0x0  }
0x13f: {  	s3 =	rddreg [dreg:$0x2];
	[bflag:$0x3] =	sbarrier.arrive $0xFFFF;
	s2 =	simm.s32 @!p0 $0x1C0B  }
0x140: {  	[timem:s3], [sflag:s2] =	dma.local @!p0 [hbm:s0], s1  }
0x141: {  	s0 =	simm.s32 @!p0 $0xB  }
0x142: {  	_ =	swait.ge @!p0 [sflag:s0], s1  }
0x143: {  	s1 =	ssub.s32 @!p0 $0x0, s1;
	[sflag:s0] =	ssyncset.done @!p0 $0x0  }
0x144: {  	[sflag:s0] =	ssyncadd.s32 @!p0 s1  }
0x145: {  	[bflag:$0x3] =	sbarrier.arrive $0xFFFF  }
0x146: {  	_ =	shalt  }

</sc_bundles>
